<compile_context>
chip_gen: v7x
topology: tpu7x:2x2x1
jax: 0.10.2.dev20260603
libtpu: 0.0.44.dev20260713+nightly
codegen_flags: <defaults>
</compile_context>

<pallas_src>
import functools

import jax
import jax.numpy as jnp
from jax import lax
from jax.experimental import pallas as pl
from jax.experimental.pallas import tpu as pltpu
from jax.experimental.pallas import tpu_sc as plsc

N_USERS = 1000
N_JOKES = 100
BATCH = 1024
ROW = N_USERS + N_JOKES

NC = 2
NS = 16
L = 16
NW = NC * NS
BPW = BATCH // NW
GROUPS = BPW // L


def _p2_body(jtr_ref, ut_ref, out_ref):
    out_ref[...] = lax.dot_general(
        jtr_ref[...], ut_ref[...], (((1,), (1,)), ((), ())),
        preferred_element_type=jnp.float32)


def _compute_p2(jtr, ut):
    return pl.pallas_call(
        _p2_body,
        out_shape=jax.ShapeDtypeStruct((N_USERS, N_JOKES), jnp.float32),
    )(jtr, ut)


@functools.cache
def _make_sc_gather():
    mesh = plsc.VectorSubcoreMesh(core_axis_name="c", subcore_axis_name="s")

    @functools.partial(
        pl.kernel,
        out_type=jax.ShapeDtypeStruct((BATCH,), jnp.float32),
        mesh=mesh,
        compiler_params=pltpu.CompilerParams(needs_layout_passes=False),
        scratch_types=[
            pltpu.VMEM((N_USERS * N_JOKES,), jnp.float32),
            pltpu.VMEM_SHARED((N_USERS * N_JOKES,), jnp.float32),
            pltpu.VMEM((L * ROW,), jnp.int32),
            pltpu.VMEM((BPW,), jnp.float32),
            pltpu.SemaphoreType.DMA,
        ],
    )
    def sc_gather(p2_hbm, x_hbm, out_hbm, p2_v, p2_sp, x_v, d_v, sem):
        wid = lax.axis_index("s") * NC + lax.axis_index("c")
        x_dma0 = pltpu.async_copy(
            x_hbm.at[pl.ds(wid * GROUPS * L * ROW, L * ROW)], x_v, sem)

        @pl.when(lax.axis_index("s") == 0)
        def _():
            pltpu.sync_copy(p2_hbm, p2_sp)

        plsc.subcore_barrier()
        pltpu.sync_copy(p2_sp, p2_v)
        iota = lax.broadcasted_iota(jnp.int32, (L,), 0)
        uibase = iota * ROW
        jibase = uibase + N_USERS
        for g in range(GROUPS):
            if g == 0:
                x_dma0.wait()
            else:
                pltpu.sync_copy(
                    x_hbm.at[pl.ds((wid * GROUPS + g) * L * ROW, L * ROW)],
                    x_v)

            def m_body(m, acc):
                jiv = plsc.load_gather(x_v, [jibase + m])
                rowb = jiv * N_USERS
                for t in range(10):
                    uiv = plsc.load_gather(x_v, [uibase + (m * 10 + t)])
                    acc = acc + plsc.load_gather(
                        p2_v, [(rowb + t * N_JOKES) + uiv])
                return acc

            acc = lax.fori_loop(0, N_JOKES, m_body,
                                jnp.zeros((L,), jnp.float32), unroll=4)
            d_v[pl.ds(g * L, L)] = acc
        pltpu.sync_copy(d_v, out_hbm.at[pl.ds(wid * BPW, BPW)])

    return sc_gather


def _mlp_body(d_ref, w1_ref, b1_ref, w2_ref, b2_ref, w3_ref, b3_ref, o_ref):
    h = jnp.maximum(d_ref[...] * w1_ref[...] + b1_ref[...], 0.0)
    h = jnp.maximum(
        jnp.dot(h, w2_ref[...], preferred_element_type=jnp.float32)
        + b2_ref[...], 0.0)
    o_ref[...] = jnp.tanh(
        jnp.dot(h, w3_ref[...], preferred_element_type=jnp.float32)
        + b3_ref[...])


def _mlp(d, W1, b1, W2, b2, W3, b3):
    return pl.pallas_call(
        _mlp_body,
        out_shape=jax.ShapeDtypeStruct((BATCH, 1), jnp.float32),
    )(d, W1, b1.reshape(1, -1), W2, b2.reshape(1, -1), W3, b3.reshape(1, 1))


def kernel(x, user_table, joke_table, W1, b1, W2, b2, W3, b3):
    x32 = x.astype(jnp.int32).reshape(-1)
    jtr = joke_table.reshape(N_USERS, N_JOKES)
    p2 = _compute_p2(jtr, user_table[:N_JOKES]).reshape(-1)
    d = _make_sc_gather()(p2, x32)
    return _mlp(d.reshape(BATCH, 1), W1, b1, W2, b2, W3, b3)

# --- scband reference (transcript-rebuilt; emitter-appended) ---
"""Pipeline reference for scband-joke-recommender-16011638080057 (READ-ONLY COPY).

The authoritative reference and input builder live on the scoring server;
editing this copy changes nothing except your own understanding.
"""

import jax, jax.numpy as jnp
import numpy as np

N_USERS = 1000
N_JOKES = 100
BATCH = 1024
UNITS1 = 100
UNITS2 = 100


def setup_inputs(seed: int = 0) -> dict:
    key = jax.random.key(seed)
    ks = jax.random.split(key, 10)
    # forward input: int index matrix [B, n_users + n_jokes]; values in [0, 100)
    # (valid indices for both the user table (vocab 1000) and the joke table (vocab 100))
    x = jax.random.randint(ks[0], (BATCH, N_USERS + N_JOKES), 0, 100)
    # learned parameters
    user_table = jax.random.normal(ks[1], (N_USERS, N_JOKES), dtype=jnp.float32) * 0.05
    joke_table = jax.random.normal(ks[2], (N_JOKES, N_USERS), dtype=jnp.float32) * 0.05
    W1 = jax.random.normal(ks[3], (1, UNITS1), dtype=jnp.float32) * 0.05
    b1 = jnp.zeros((UNITS1,), dtype=jnp.float32)
    W2 = jax.random.normal(ks[4], (UNITS1, UNITS2), dtype=jnp.float32) * 0.05
    b2 = jnp.zeros((UNITS2,), dtype=jnp.float32)
    W3 = jax.random.normal(ks[5], (UNITS2, 1), dtype=jnp.float32) * 0.05
    b3 = jnp.zeros((1,), dtype=jnp.float32)
    return {"x": x, "user_table": user_table, "joke_table": joke_table,
            "W1": W1, "b1": b1, "W2": W2, "b2": b2, "W3": W3, "b3": b3}


def reference(x, user_table, joke_table, W1, b1, W2, b2, W3, b3):
    B = x.shape[0]
    # split_user / split_joke
    user_idx = x[:, :N_USERS]            # [B, n_users]
    joke_idx = x[:, N_USERS:]            # [B, n_jokes]
    # user_embedding: Embedding(n_users, n_jokes) -> [B, n_users, n_jokes]; flatten
    u = jnp.take(user_table, user_idx, axis=0).reshape(B, -1)   # [B, n_users*n_jokes]
    # joke_embedding: Embedding(n_jokes, n_users) -> [B, n_jokes, n_users]; flatten
    j = jnp.take(joke_table, joke_idx, axis=0).reshape(B, -1)   # [B, n_jokes*n_users]
    # Dropout is inactive at inference (Keras call without training=True)
    # Dot(axes=-1) -> [B, 1]
    d = jnp.sum(u * j, axis=-1, keepdims=True)
    h = jax.nn.relu(d @ W1 + b1)
    h = jax.nn.relu(h @ W2 + b2)
    out = jnp.tanh(h @ W3 + b3)
    return out

if __name__ == "__main__":
    import jax
    _d = setup_inputs()
    print(jax.jit(kernel)(*tuple(_d.values())))

</pallas_src>

<mosaic_0001>
#map = affine_map<(d0, d1) -> (0)>
module attributes {stable_mosaic.version = 14 : i64} {
  func.func @sc_gather(%arg0: i32, %arg1: i32, %arg2: memref<100000xf32, #tpu.memory_space<hbm>>, %arg3: memref<1126400xi32, #tpu.memory_space<hbm>>, %arg4: memref<1024xf32, #tpu.memory_space<hbm>>, %arg5: memref<100000xf32, #tpu.memory_space<vmem>>, %arg6: memref<100000xf32, #tpu.memory_space<vmem_shared>>, %arg7: memref<17600xi32, #tpu.memory_space<vmem>>, %arg8: memref<32xf32, #tpu.memory_space<vmem>>, %arg9: memref<!tpu.dma_semaphore, #tpu.memory_space<semaphore_mem>>) attributes {dimension_semantics = [#tpu.dimension_semantics<core_parallel>, #tpu.dimension_semantics<subcore_parallel>], iteration_bounds = array<i64: 2, 16>, scalar_prefetch = 0 : i64, scratch_operands = 5 : i64, tpu.core_type = #tpu.core_type<sc_vector_subcore>, window_params = [{transform_indices = #map}, {transform_indices = #map}, {transform_indices = #map}]} {
    %mul3A = arith.constant 2 : i32
    %mul3A_0 = arith.muli %arg1, %mul3A : i32
    %add3A = arith.addi %mul3A_0, %arg0 : i32
    %mul3A_1 = arith.constant 2 : i32
    %mul3A_2 = arith.muli %add3A, %mul3A_1 : i32
    %mul3A_3 = arith.constant 16 : i32
    %mul3A_4 = arith.muli %mul3A_2, %mul3A_3 : i32
    %mul3A_5 = arith.constant 1100 : i32
    %mul3A_6 = arith.muli %mul3A_4, %mul3A_5 : i32
    %dma_start3A = tpu.memref_slice %arg3[%mul3A_6] : memref<1126400xi32, #tpu.memory_space<hbm>> -> memref<17600xi32, #tpu.memory_space<hbm>>
    %dma_start3A_7 = tpu.memref_slice %arg3[%mul3A_6] : memref<1126400xi32, #tpu.memory_space<hbm>> -> memref<17600xi32, #tpu.memory_space<hbm>>
    tpu.enqueue_dma source(%dma_start3A_7 : memref<17600xi32, #tpu.memory_space<hbm>>) target(%arg7 : memref<17600xi32, #tpu.memory_space<vmem>>) target_semaphore(%arg9 : memref<!tpu.dma_semaphore, #tpu.memory_space<semaphore_mem>>)
    %eq3A = arith.constant 0 : i32
    %eq3A_8 = arith.cmpi eq, %arg1, %eq3A : i32
    %convert_element_type3A = arith.extui %eq3A_8 : i1 to i32
    %cond3A = arith.constant 0 : i32
    %cond3A_9 = arith.cmpi ne, %convert_element_type3A, %cond3A : i32
    scf.if %cond3A_9 {
      "tpu.region"() ({
        %run_scoped3A = tpu.sem_alloc : memref<!tpu.dma_semaphore, #tpu.memory_space<semaphore_mem>>
        tpu.enqueue_dma source(%arg2 : memref<100000xf32, #tpu.memory_space<hbm>>) target(%arg6 : memref<100000xf32, #tpu.memory_space<vmem_shared>>) target_semaphore(%run_scoped3A : memref<!tpu.dma_semaphore, #tpu.memory_space<semaphore_mem>>)
        tpu.wait_dma2 semaphore(%run_scoped3A : memref<!tpu.dma_semaphore, #tpu.memory_space<semaphore_mem>>) src(%arg2 : memref<100000xf32, #tpu.memory_space<hbm>>) dst(%arg6 : memref<100000xf32, #tpu.memory_space<vmem_shared>>)
        tpu.yield
      }) : () -> ()
    } else {
    }
    %barrier3A = arith.constant 0 : index
    tpu.barrier barrier_id(%barrier3A)
    "tpu.region"() ({
      %run_scoped3A = tpu.sem_alloc : memref<!tpu.dma_semaphore, #tpu.memory_space<semaphore_mem>>
      tpu.enqueue_dma source(%arg6 : memref<100000xf32, #tpu.memory_space<vmem_shared>>) target(%arg5 : memref<100000xf32, #tpu.memory_space<vmem>>) target_semaphore(%run_scoped3A : memref<!tpu.dma_semaphore, #tpu.memory_space<semaphore_mem>>)
      tpu.wait_dma2 semaphore(%run_scoped3A : memref<!tpu.dma_semaphore, #tpu.memory_space<semaphore_mem>>) src(%arg6 : memref<100000xf32, #tpu.memory_space<vmem_shared>>) dst(%arg5 : memref<100000xf32, #tpu.memory_space<vmem>>)
      tpu.yield
    }) : () -> ()
    %iota3A = tpu.iota {dimensions = array<i32: 0>} : vector<16xi32>
    %mul3A_10 = arith.constant 1100 : i32
    %mul3A_11 = vector.broadcast %mul3A_10 : i32 to vector<16xi32>
    %mul3A_12 = arith.muli %iota3A, %mul3A_11 : vector<16xi32>
    %add3A_13 = arith.constant 1000 : i32
    %add3A_14 = vector.broadcast %add3A_13 : i32 to vector<16xi32>
    %add3A_15 = arith.addi %mul3A_12, %add3A_14 : vector<16xi32>
    %dma_wait3A = tpu.memref_slice %arg3[%mul3A_6] : memref<1126400xi32, #tpu.memory_space<hbm>> -> memref<17600xi32, #tpu.memory_space<hbm>>
    %dma_wait3A_16 = tpu.memref_slice %arg3[%mul3A_6] : memref<1126400xi32, #tpu.memory_space<hbm>> -> memref<17600xi32, #tpu.memory_space<hbm>>
    tpu.wait_dma2 semaphore(%arg9 : memref<!tpu.dma_semaphore, #tpu.memory_space<semaphore_mem>>) src(%dma_wait3A_16 : memref<17600xi32, #tpu.memory_space<hbm>>) dst(%arg7 : memref<17600xi32, #tpu.memory_space<vmem>>)
    %broadcast_in_dim3A = arith.constant 0.000000e+00 : f32
    %broadcast_in_dim3A_17 = vector.broadcast %broadcast_in_dim3A : f32 to vector<16xf32>
    %scan3A = arith.constant 0 : i32
    %scan3A_18 = arith.constant 100 : i32
    %scan3A_19 = arith.addi %scan3A, %scan3A_18 : i32
    %scan3A_20 = arith.constant 4 : i32
    %scan3A_21 = scf.for %scan3A_44 = %scan3A to %scan3A_19 step %scan3A_20 iter_args(%scan3A_45 = %broadcast_in_dim3A_17) -> (vector<16xf32>)  : i32 {
      %add3A_46 = vector.broadcast %scan3A_44 : i32 to vector<16xi32>
      %add3A_47 = arith.addi %add3A_15, %add3A_46 : vector<16xi32>
      %gather3A = tpu.vector_load_idx %arg7[%add3A_47] : memref<17600xi32, #tpu.memory_space<vmem>>[vector<16xi32>], vector<16xi32>,
      %mul3A_48 = arith.constant 1000 : i32
      %mul3A_49 = vector.broadcast %mul3A_48 : i32 to vector<16xi32>
      %mul3A_50 = arith.muli %gather3A, %mul3A_49 : vector<16xi32>
      %mul3A_51 = arith.constant 10 : i32
      %mul3A_52 = arith.muli %scan3A_44, %mul3A_51 : i32
      %add3A_53 = arith.constant 0 : i32
      %add3A_54 = arith.addi %mul3A_52, %add3A_53 : i32
      %add3A_55 = vector.broadcast %add3A_54 : i32 to vector<16xi32>
      %add3A_56 = arith.addi %mul3A_12, %add3A_55 : vector<16xi32>
      %gather3A_57 = tpu.vector_load_idx %arg7[%add3A_56] : memref<17600xi32, #tpu.memory_space<vmem>>[vector<16xi32>], vector<16xi32>,
      %add3A_58 = arith.constant 0 : i32
      %add3A_59 = vector.broadcast %add3A_58 : i32 to vector<16xi32>
      %add3A_60 = arith.addi %mul3A_50, %add3A_59 : vector<16xi32>
      %add3A_61 = arith.addi %add3A_60, %gather3A_57 : vector<16xi32>
      %gather3A_62 = tpu.vector_load_idx %arg5[%add3A_61] : memref<100000xf32, #tpu.memory_space<vmem>>[vector<16xi32>], vector<16xf32>,
      %add3A_63 = arith.addf %scan3A_45, %gather3A_62 : vector<16xf32>
      %mul3A_64 = arith.constant 10 : i32
      %mul3A_65 = arith.muli %scan3A_44, %mul3A_64 : i32
      %add3A_66 = arith.constant 1 : i32
      %add3A_67 = arith.addi %mul3A_65, %add3A_66 : i32
      %add3A_68 = vector.broadcast %add3A_67 : i32 to vector<16xi32>
      %add3A_69 = arith.addi %mul3A_12, %add3A_68 : vector<16xi32>
      %gather3A_70 = tpu.vector_load_idx %arg7[%add3A_69] : memref<17600xi32, #tpu.memory_space<vmem>>[vector<16xi32>], vector<16xi32>,
      %add3A_71 = arith.constant 100 : i32
      %add3A_72 = vector.broadcast %add3A_71 : i32 to vector<16xi32>
      %add3A_73 = arith.addi %mul3A_50, %add3A_72 : vector<16xi32>
      %add3A_74 = arith.addi %add3A_73, %gather3A_70 : vector<16xi32>
      %gather3A_75 = tpu.vector_load_idx %arg5[%add3A_74] : memref<100000xf32, #tpu.memory_space<vmem>>[vector<16xi32>], vector<16xf32>,
      %add3A_76 = arith.addf %add3A_63, %gather3A_75 : vector<16xf32>
      %mul3A_77 = arith.constant 10 : i32
      %mul3A_78 = arith.muli %scan3A_44, %mul3A_77 : i32
      %add3A_79 = arith.constant 2 : i32
      %add3A_80 = arith.addi %mul3A_78, %add3A_79 : i32
      %add3A_81 = vector.broadcast %add3A_80 : i32 to vector<16xi32>
      %add3A_82 = arith.addi %mul3A_12, %add3A_81 : vector<16xi32>
      %gather3A_83 = tpu.vector_load_idx %arg7[%add3A_82] : memref<17600xi32, #tpu.memory_space<vmem>>[vector<16xi32>], vector<16xi32>,
      %add3A_84 = arith.constant 200 : i32
      %add3A_85 = vector.broadcast %add3A_84 : i32 to vector<16xi32>
      %add3A_86 = arith.addi %mul3A_50, %add3A_85 : vector<16xi32>
      %add3A_87 = arith.addi %add3A_86, %gather3A_83 : vector<16xi32>
      %gather3A_88 = tpu.vector_load_idx %arg5[%add3A_87] : memref<100000xf32, #tpu.memory_space<vmem>>[vector<16xi32>], vector<16xf32>,
      %add3A_89 = arith.addf %add3A_76, %gather3A_88 : vector<16xf32>
      %mul3A_90 = arith.constant 10 : i32
      %mul3A_91 = arith.muli %scan3A_44, %mul3A_90 : i32
      %add3A_92 = arith.constant 3 : i32
      %add3A_93 = arith.addi %mul3A_91, %add3A_92 : i32
      %add3A_94 = vector.broadcast %add3A_93 : i32 to vector<16xi32>
      %add3A_95 = arith.addi %mul3A_12, %add3A_94 : vector<16xi32>
      %gather3A_96 = tpu.vector_load_idx %arg7[%add3A_95] : memref<17600xi32, #tpu.memory_space<vmem>>[vector<16xi32>], vector<16xi32>,
      %add3A_97 = arith.constant 300 : i32
      %add3A_98 = vector.broadcast %add3A_97 : i32 to vector<16xi32>
      %add3A_99 = arith.addi %mul3A_50, %add3A_98 : vector<16xi32>
      %add3A_100 = arith.addi %add3A_99, %gather3A_96 : vector<16xi32>
      %gather3A_101 = tpu.vector_load_idx %arg5[%add3A_100] : memref<100000xf32, #tpu.memory_space<vmem>>[vector<16xi32>], vector<16xf32>,
      %add3A_102 = arith.addf %add3A_89, %gather3A_101 : vector<16xf32>
      %mul3A_103 = arith.constant 10 : i32
      %mul3A_104 = arith.muli %scan3A_44, %mul3A_103 : i32
      %add3A_105 = arith.constant 4 : i32
      %add3A_106 = arith.addi %mul3A_104, %add3A_105 : i32
      %add3A_107 = vector.broadcast %add3A_106 : i32 to vector<16xi32>
      %add3A_108 = arith.addi %mul3A_12, %add3A_107 : vector<16xi32>
      %gather3A_109 = tpu.vector_load_idx %arg7[%add3A_108] : memref<17600xi32, #tpu.memory_space<vmem>>[vector<16xi32>], vector<16xi32>,
      %add3A_110 = arith.constant 400 : i32
      %add3A_111 = vector.broadcast %add3A_110 : i32 to vector<16xi32>
      %add3A_112 = arith.addi %mul3A_50, %add3A_111 : vector<16xi32>
      %add3A_113 = arith.addi %add3A_112, %gather3A_109 : vector<16xi32>
      %gather3A_114 = tpu.vector_load_idx %arg5[%add3A_113] : memref<100000xf32, #tpu.memory_space<vmem>>[vector<16xi32>], vector<16xf32>,
      %add3A_115 = arith.addf %add3A_102, %gather3A_114 : vector<16xf32>
      %mul3A_116 = arith.constant 10 : i32
      %mul3A_117 = arith.muli %scan3A_44, %mul3A_116 : i32
      %add3A_118 = arith.constant 5 : i32
      %add3A_119 = arith.addi %mul3A_117, %add3A_118 : i32
      %add3A_120 = vector.broadcast %add3A_119 : i32 to vector<16xi32>
      %add3A_121 = arith.addi %mul3A_12, %add3A_120 : vector<16xi32>
      %gather3A_122 = tpu.vector_load_idx %arg7[%add3A_121] : memref<17600xi32, #tpu.memory_space<vmem>>[vector<16xi32>], vector<16xi32>,
      %add3A_123 = arith.constant 500 : i32
      %add3A_124 = vector.broadcast %add3A_123 : i32 to vector<16xi32>
      %add3A_125 = arith.addi %mul3A_50, %add3A_124 : vector<16xi32>
      %add3A_126 = arith.addi %add3A_125, %gather3A_122 : vector<16xi32>
      %gather3A_127 = tpu.vector_load_idx %arg5[%add3A_126] : memref<100000xf32, #tpu.memory_space<vmem>>[vector<16xi32>], vector<16xf32>,
      %add3A_128 = arith.addf %add3A_115, %gather3A_127 : vector<16xf32>
      %mul3A_129 = arith.constant 10 : i32
      %mul3A_130 = arith.muli %scan3A_44, %mul3A_129 : i32
      %add3A_131 = arith.constant 6 : i32
      %add3A_132 = arith.addi %mul3A_130, %add3A_131 : i32
      %add3A_133 = vector.broadcast %add3A_132 : i32 to vector<16xi32>
      %add3A_134 = arith.addi %mul3A_12, %add3A_133 : vector<16xi32>
      %gather3A_135 = tpu.vector_load_idx %arg7[%add3A_134] : memref<17600xi32, #tpu.memory_space<vmem>>[vector<16xi32>], vector<16xi32>,
      %add3A_136 = arith.constant 600 : i32
      %add3A_137 = vector.broadcast %add3A_136 : i32 to vector<16xi32>
      %add3A_138 = arith.addi %mul3A_50, %add3A_137 : vector<16xi32>
      %add3A_139 = arith.addi %add3A_138, %gather3A_135 : vector<16xi32>
      %gather3A_140 = tpu.vector_load_idx %arg5[%add3A_139] : memref<100000xf32, #tpu.memory_space<vmem>>[vector<16xi32>], vector<16xf32>,
      %add3A_141 = arith.addf %add3A_128, %gather3A_140 : vector<16xf32>
      %mul3A_142 = arith.constant 10 : i32
      %mul3A_143 = arith.muli %scan3A_44, %mul3A_142 : i32
      %add3A_144 = arith.constant 7 : i32
      %add3A_145 = arith.addi %mul3A_143, %add3A_144 : i32
      %add3A_146 = vector.broadcast %add3A_145 : i32 to vector<16xi32>
      %add3A_147 = arith.addi %mul3A_12, %add3A_146 : vector<16xi32>
      %gather3A_148 = tpu.vector_load_idx %arg7[%add3A_147] : memref<17600xi32, #tpu.memory_space<vmem>>[vector<16xi32>], vector<16xi32>,
      %add3A_149 = arith.constant 700 : i32
      %add3A_150 = vector.broadcast %add3A_149 : i32 to vector<16xi32>
      %add3A_151 = arith.addi %mul3A_50, %add3A_150 : vector<16xi32>
      %add3A_152 = arith.addi %add3A_151, %gather3A_148 : vector<16xi32>
      %gather3A_153 = tpu.vector_load_idx %arg5[%add3A_152] : memref<100000xf32, #tpu.memory_space<vmem>>[vector<16xi32>], vector<16xf32>,
      %add3A_154 = arith.addf %add3A_141, %gather3A_153 : vector<16xf32>
      %mul3A_155 = arith.constant 10 : i32
      %mul3A_156 = arith.muli %scan3A_44, %mul3A_155 : i32
      %add3A_157 = arith.constant 8 : i32
      %add3A_158 = arith.addi %mul3A_156, %add3A_157 : i32
      %add3A_159 = vector.broadcast %add3A_158 : i32 to vector<16xi32>
      %add3A_160 = arith.addi %mul3A_12, %add3A_159 : vector<16xi32>
      %gather3A_161 = tpu.vector_load_idx %arg7[%add3A_160] : memref<17600xi32, #tpu.memory_space<vmem>>[vector<16xi32>], vector<16xi32>,
      %add3A_162 = arith.constant 800 : i32
      %add3A_163 = vector.broadcast %add3A_162 : i32 to vector<16xi32>
      %add3A_164 = arith.addi %mul3A_50, %add3A_163 : vector<16xi32>
      %add3A_165 = arith.addi %add3A_164, %gather3A_161 : vector<16xi32>
      %gather3A_166 = tpu.vector_load_idx %arg5[%add3A_165] : memref<100000xf32, #tpu.memory_space<vmem>>[vector<16xi32>], vector<16xf32>,
      %add3A_167 = arith.addf %add3A_154, %gather3A_166 : vector<16xf32>
      %mul3A_168 = arith.constant 10 : i32
      %mul3A_169 = arith.muli %scan3A_44, %mul3A_168 : i32
      %add3A_170 = arith.constant 9 : i32
      %add3A_171 = arith.addi %mul3A_169, %add3A_170 : i32
      %add3A_172 = vector.broadcast %add3A_171 : i32 to vector<16xi32>
      %add3A_173 = arith.addi %mul3A_12, %add3A_172 : vector<16xi32>
      %gather3A_174 = tpu.vector_load_idx %arg7[%add3A_173] : memref<17600xi32, #tpu.memory_space<vmem>>[vector<16xi32>], vector<16xi32>,
      %add3A_175 = arith.constant 900 : i32
      %add3A_176 = vector.broadcast %add3A_175 : i32 to vector<16xi32>
      %add3A_177 = arith.addi %mul3A_50, %add3A_176 : vector<16xi32>
      %add3A_178 = arith.addi %add3A_177, %gather3A_174 : vector<16xi32>
      %gather3A_179 = tpu.vector_load_idx %arg5[%add3A_178] : memref<100000xf32, #tpu.memory_space<vmem>>[vector<16xi32>], vector<16xf32>,
      %add3A_180 = arith.addf %add3A_167, %gather3A_179 : vector<16xf32>
      %scan3A_181 = arith.constant 1 : i32
      %scan3A_182 = arith.addi %scan3A_44, %scan3A_181 : i32
      %add3A_183 = vector.broadcast %scan3A_182 : i32 to vector<16xi32>
      %add3A_184 = arith.addi %add3A_15, %add3A_183 : vector<16xi32>
      %gather3A_185 = tpu.vector_load_idx %arg7[%add3A_184] : memref<17600xi32, #tpu.memory_space<vmem>>[vector<16xi32>], vector<16xi32>,
      %mul3A_186 = arith.constant 1000 : i32
      %mul3A_187 = vector.broadcast %mul3A_186 : i32 to vector<16xi32>
      %mul3A_188 = arith.muli %gather3A_185, %mul3A_187 : vector<16xi32>
      %mul3A_189 = arith.constant 10 : i32
      %mul3A_190 = arith.muli %scan3A_182, %mul3A_189 : i32
      %add3A_191 = arith.constant 0 : i32
      %add3A_192 = arith.addi %mul3A_190, %add3A_191 : i32
      %add3A_193 = vector.broadcast %add3A_192 : i32 to vector<16xi32>
      %add3A_194 = arith.addi %mul3A_12, %add3A_193 : vector<16xi32>
      %gather3A_195 = tpu.vector_load_idx %arg7[%add3A_194] : memref<17600xi32, #tpu.memory_space<vmem>>[vector<16xi32>], vector<16xi32>,
      %add3A_196 = arith.constant 0 : i32
      %add3A_197 = vector.broadcast %add3A_196 : i32 to vector<16xi32>
      %add3A_198 = arith.addi %mul3A_188, %add3A_197 : vector<16xi32>
      %add3A_199 = arith.addi %add3A_198, %gather3A_195 : vector<16xi32>
      %gather3A_200 = tpu.vector_load_idx %arg5[%add3A_199] : memref<100000xf32, #tpu.memory_space<vmem>>[vector<16xi32>], vector<16xf32>,
      %add3A_201 = arith.addf %add3A_180, %gather3A_200 : vector<16xf32>
      %mul3A_202 = arith.constant 10 : i32
      %mul3A_203 = arith.muli %scan3A_182, %mul3A_202 : i32
      %add3A_204 = arith.constant 1 : i32
      %add3A_205 = arith.addi %mul3A_203, %add3A_204 : i32
      %add3A_206 = vector.broadcast %add3A_205 : i32 to vector<16xi32>
      %add3A_207 = arith.addi %mul3A_12, %add3A_206 : vector<16xi32>
      %gather3A_208 = tpu.vector_load_idx %arg7[%add3A_207] : memref<17600xi32, #tpu.memory_space<vmem>>[vector<16xi32>], vector<16xi32>,
      %add3A_209 = arith.constant 100 : i32
      %add3A_210 = vector.broadcast %add3A_209 : i32 to vector<16xi32>
      %add3A_211 = arith.addi %mul3A_188, %add3A_210 : vector<16xi32>
      %add3A_212 = arith.addi %add3A_211, %gather3A_208 : vector<16xi32>
      %gather3A_213 = tpu.vector_load_idx %arg5[%add3A_212] : memref<100000xf32, #tpu.memory_space<vmem>>[vector<16xi32>], vector<16xf32>,
      %add3A_214 = arith.addf %add3A_201, %gather3A_213 : vector<16xf32>
      %mul3A_215 = arith.constant 10 : i32
      %mul3A_216 = arith.muli %scan3A_182, %mul3A_215 : i32
      %add3A_217 = arith.constant 2 : i32
      %add3A_218 = arith.addi %mul3A_216, %add3A_217 : i32
      %add3A_219 = vector.broadcast %add3A_218 : i32 to vector<16xi32>
      %add3A_220 = arith.addi %mul3A_12, %add3A_219 : vector<16xi32>
      %gather3A_221 = tpu.vector_load_idx %arg7[%add3A_220] : memref<17600xi32, #tpu.memory_space<vmem>>[vector<16xi32>], vector<16xi32>,
      %add3A_222 = arith.constant 200 : i32
      %add3A_223 = vector.broadcast %add3A_222 : i32 to vector<16xi32>
      %add3A_224 = arith.addi %mul3A_188, %add3A_223 : vector<16xi32>
      %add3A_225 = arith.addi %add3A_224, %gather3A_221 : vector<16xi32>
      %gather3A_226 = tpu.vector_load_idx %arg5[%add3A_225] : memref<100000xf32, #tpu.memory_space<vmem>>[vector<16xi32>], vector<16xf32>,
      %add3A_227 = arith.addf %add3A_214, %gather3A_226 : vector<16xf32>
      %mul3A_228 = arith.constant 10 : i32
      %mul3A_229 = arith.muli %scan3A_182, %mul3A_228 : i32
      %add3A_230 = arith.constant 3 : i32
      %add3A_231 = arith.addi %mul3A_229, %add3A_230 : i32
      %add3A_232 = vector.broadcast %add3A_231 : i32 to vector<16xi32>
      %add3A_233 = arith.addi %mul3A_12, %add3A_232 : vector<16xi32>
      %gather3A_234 = tpu.vector_load_idx %arg7[%add3A_233] : memref<17600xi32, #tpu.memory_space<vmem>>[vector<16xi32>], vector<16xi32>,
      %add3A_235 = arith.constant 300 : i32
      %add3A_236 = vector.broadcast %add3A_235 : i32 to vector<16xi32>
      %add3A_237 = arith.addi %mul3A_188, %add3A_236 : vector<16xi32>
      %add3A_238 = arith.addi %add3A_237, %gather3A_234 : vector<16xi32>
      %gather3A_239 = tpu.vector_load_idx %arg5[%add3A_238] : memref<100000xf32, #tpu.memory_space<vmem>>[vector<16xi32>], vector<16xf32>,
      %add3A_240 = arith.addf %add3A_227, %gather3A_239 : vector<16xf32>
      %mul3A_241 = arith.constant 10 : i32
      %mul3A_242 = arith.muli %scan3A_182, %mul3A_241 : i32
      %add3A_243 = arith.constant 4 : i32
      %add3A_244 = arith.addi %mul3A_242, %add3A_243 : i32
      %add3A_245 = vector.broadcast %add3A_244 : i32 to vector<16xi32>
      %add3A_246 = arith.addi %mul3A_12, %add3A_245 : vector<16xi32>
      %gather3A_247 = tpu.vector_load_idx %arg7[%add3A_246] : memref<17600xi32, #tpu.memory_space<vmem>>[vector<16xi32>], vector<16xi32>,
      %add3A_248 = arith.constant 400 : i32
      %add3A_249 = vector.broadcast %add3A_248 : i32 to vector<16xi32>
      %add3A_250 = arith.addi %mul3A_188, %add3A_249 : vector<16xi32>
      %add3A_251 = arith.addi %add3A_250, %gather3A_247 : vector<16xi32>
      %gather3A_252 = tpu.vector_load_idx %arg5[%add3A_251] : memref<100000xf32, #tpu.memory_space<vmem>>[vector<16xi32>], vector<16xf32>,
      %add3A_253 = arith.addf %add3A_240, %gather3A_252 : vector<16xf32>
      %mul3A_254 = arith.constant 10 : i32
      %mul3A_255 = arith.muli %scan3A_182, %mul3A_254 : i32
      %add3A_256 = arith.constant 5 : i32
      %add3A_257 = arith.addi %mul3A_255, %add3A_256 : i32
      %add3A_258 = vector.broadcast %add3A_257 : i32 to vector<16xi32>
      %add3A_259 = arith.addi %mul3A_12, %add3A_258 : vector<16xi32>
      %gather3A_260 = tpu.vector_load_idx %arg7[%add3A_259] : memref<17600xi32, #tpu.memory_space<vmem>>[vector<16xi32>], vector<16xi32>,
      %add3A_261 = arith.constant 500 : i32
      %add3A_262 = vector.broadcast %add3A_261 : i32 to vector<16xi32>
      %add3A_263 = arith.addi %mul3A_188, %add3A_262 : vector<16xi32>
      %add3A_264 = arith.addi %add3A_263, %gather3A_260 : vector<16xi32>
      %gather3A_265 = tpu.vector_load_idx %arg5[%add3A_264] : memref<100000xf32, #tpu.memory_space<vmem>>[vector<16xi32>], vector<16xf32>,
      %add3A_266 = arith.addf %add3A_253, %gather3A_265 : vector<16xf32>
      %mul3A_267 = arith.constant 10 : i32
      %mul3A_268 = arith.muli %scan3A_182, %mul3A_267 : i32
      %add3A_269 = arith.constant 6 : i32
      %add3A_270 = arith.addi %mul3A_268, %add3A_269 : i32
      %add3A_271 = vector.broadcast %add3A_270 : i32 to vector<16xi32>
      %add3A_272 = arith.addi %mul3A_12, %add3A_271 : vector<16xi32>
      %gather3A_273 = tpu.vector_load_idx %arg7[%add3A_272] : memref<17600xi32, #tpu.memory_space<vmem>>[vector<16xi32>], vector<16xi32>,
      %add3A_274 = arith.constant 600 : i32
      %add3A_275 = vector.broadcast %add3A_274 : i32 to vector<16xi32>
      %add3A_276 = arith.addi %mul3A_188, %add3A_275 : vector<16xi32>
      %add3A_277 = arith.addi %add3A_276, %gather3A_273 : vector<16xi32>
      %gather3A_278 = tpu.vector_load_idx %arg5[%add3A_277] : memref<100000xf32, #tpu.memory_space<vmem>>[vector<16xi32>], vector<16xf32>,
      %add3A_279 = arith.addf %add3A_266, %gather3A_278 : vector<16xf32>
      %mul3A_280 = arith.constant 10 : i32
      %mul3A_281 = arith.muli %scan3A_182, %mul3A_280 : i32
      %add3A_282 = arith.constant 7 : i32
      %add3A_283 = arith.addi %mul3A_281, %add3A_282 : i32
      %add3A_284 = vector.broadcast %add3A_283 : i32 to vector<16xi32>
      %add3A_285 = arith.addi %mul3A_12, %add3A_284 : vector<16xi32>
      %gather3A_286 = tpu.vector_load_idx %arg7[%add3A_285] : memref<17600xi32, #tpu.memory_space<vmem>>[vector<16xi32>], vector<16xi32>,
      %add3A_287 = arith.constant 700 : i32
      %add3A_288 = vector.broadcast %add3A_287 : i32 to vector<16xi32>
      %add3A_289 = arith.addi %mul3A_188, %add3A_288 : vector<16xi32>
      %add3A_290 = arith.addi %add3A_289, %gather3A_286 : vector<16xi32>
      %gather3A_291 = tpu.vector_load_idx %arg5[%add3A_290] : memref<100000xf32, #tpu.memory_space<vmem>>[vector<16xi32>], vector<16xf32>,
      %add3A_292 = arith.addf %add3A_279, %gather3A_291 : vector<16xf32>
      %mul3A_293 = arith.constant 10 : i32
      %mul3A_294 = arith.muli %scan3A_182, %mul3A_293 : i32
      %add3A_295 = arith.constant 8 : i32
      %add3A_296 = arith.addi %mul3A_294, %add3A_295 : i32
      %add3A_297 = vector.broadcast %add3A_296 : i32 to vector<16xi32>
      %add3A_298 = arith.addi %mul3A_12, %add3A_297 : vector<16xi32>
      %gather3A_299 = tpu.vector_load_idx %arg7[%add3A_298] : memref<17600xi32, #tpu.memory_space<vmem>>[vector<16xi32>], vector<16xi32>,
      %add3A_300 = arith.constant 800 : i32
      %add3A_301 = vector.broadcast %add3A_300 : i32 to vector<16xi32>
      %add3A_302 = arith.addi %mul3A_188, %add3A_301 : vector<16xi32>
      %add3A_303 = arith.addi %add3A_302, %gather3A_299 : vector<16xi32>
      %gather3A_304 = tpu.vector_load_idx %arg5[%add3A_303] : memref<100000xf32, #tpu.memory_space<vmem>>[vector<16xi32>], vector<16xf32>,
      %add3A_305 = arith.addf %add3A_292, %gather3A_304 : vector<16xf32>
      %mul3A_306 = arith.constant 10 : i32
      %mul3A_307 = arith.muli %scan3A_182, %mul3A_306 : i32
      %add3A_308 = arith.constant 9 : i32
      %add3A_309 = arith.addi %mul3A_307, %add3A_308 : i32
      %add3A_310 = vector.broadcast %add3A_309 : i32 to vector<16xi32>
      %add3A_311 = arith.addi %mul3A_12, %add3A_310 : vector<16xi32>
      %gather3A_312 = tpu.vector_load_idx %arg7[%add3A_311] : memref<17600xi32, #tpu.memory_space<vmem>>[vector<16xi32>], vector<16xi32>,
      %add3A_313 = arith.constant 900 : i32
      %add3A_314 = vector.broadcast %add3A_313 : i32 to vector<16xi32>
      %add3A_315 = arith.addi %mul3A_188, %add3A_314 : vector<16xi32>
      %add3A_316 = arith.addi %add3A_315, %gather3A_312 : vector<16xi32>
      %gather3A_317 = tpu.vector_load_idx %arg5[%add3A_316] : memref<100000xf32, #tpu.memory_space<vmem>>[vector<16xi32>], vector<16xf32>,
      %add3A_318 = arith.addf %add3A_305, %gather3A_317 : vector<16xf32>
      %scan3A_319 = arith.constant 2 : i32
      %scan3A_320 = arith.addi %scan3A_44, %scan3A_319 : i32
      %add3A_321 = vector.broadcast %scan3A_320 : i32 to vector<16xi32>
      %add3A_322 = arith.addi %add3A_15, %add3A_321 : vector<16xi32>
      %gather3A_323 = tpu.vector_load_idx %arg7[%add3A_322] : memref<17600xi32, #tpu.memory_space<vmem>>[vector<16xi32>], vector<16xi32>,
      %mul3A_324 = arith.constant 1000 : i32
      %mul3A_325 = vector.broadcast %mul3A_324 : i32 to vector<16xi32>
      %mul3A_326 = arith.muli %gather3A_323, %mul3A_325 : vector<16xi32>
      %mul3A_327 = arith.constant 10 : i32
      %mul3A_328 = arith.muli %scan3A_320, %mul3A_327 : i32
      %add3A_329 = arith.constant 0 : i32
      %add3A_330 = arith.addi %mul3A_328, %add3A_329 : i32
      %add3A_331 = vector.broadcast %add3A_330 : i32 to vector<16xi32>
      %add3A_332 = arith.addi %mul3A_12, %add3A_331 : vector<16xi32>
      %gather3A_333 = tpu.vector_load_idx %arg7[%add3A_332] : memref<17600xi32, #tpu.memory_space<vmem>>[vector<16xi32>], vector<16xi32>,
      %add3A_334 = arith.constant 0 : i32
      %add3A_335 = vector.broadcast %add3A_334 : i32 to vector<16xi32>
      %add3A_336 = arith.addi %mul3A_326, %add3A_335 : vector<16xi32>
      %add3A_337 = arith.addi %add3A_336, %gather3A_333 : vector<16xi32>
      %gather3A_338 = tpu.vector_load_idx %arg5[%add3A_337] : memref<100000xf32, #tpu.memory_space<vmem>>[vector<16xi32>], vector<16xf32>,
      %add3A_339 = arith.addf %add3A_318, %gather3A_338 : vector<16xf32>
      %mul3A_340 = arith.constant 10 : i32
      %mul3A_341 = arith.muli %scan3A_320, %mul3A_340 : i32
      %add3A_342 = arith.constant 1 : i32
      %add3A_343 = arith.addi %mul3A_341, %add3A_342 : i32
      %add3A_344 = vector.broadcast %add3A_343 : i32 to vector<16xi32>
      %add3A_345 = arith.addi %mul3A_12, %add3A_344 : vector<16xi32>
      %gather3A_346 = tpu.vector_load_idx %arg7[%add3A_345] : memref<17600xi32, #tpu.memory_space<vmem>>[vector<16xi32>], vector<16xi32>,
      %add3A_347 = arith.constant 100 : i32
      %add3A_348 = vector.broadcast %add3A_347 : i32 to vector<16xi32>
      %add3A_349 = arith.addi %mul3A_326, %add3A_348 : vector<16xi32>
      %add3A_350 = arith.addi %add3A_349, %gather3A_346 : vector<16xi32>
      %gather3A_351 = tpu.vector_load_idx %arg5[%add3A_350] : memref<100000xf32, #tpu.memory_space<vmem>>[vector<16xi32>], vector<16xf32>,
      %add3A_352 = arith.addf %add3A_339, %gather3A_351 : vector<16xf32>
      %mul3A_353 = arith.constant 10 : i32
      %mul3A_354 = arith.muli %scan3A_320, %mul3A_353 : i32
      %add3A_355 = arith.constant 2 : i32
      %add3A_356 = arith.addi %mul3A_354, %add3A_355 : i32
      %add3A_357 = vector.broadcast %add3A_356 : i32 to vector<16xi32>
      %add3A_358 = arith.addi %mul3A_12, %add3A_357 : vector<16xi32>
      %gather3A_359 = tpu.vector_load_idx %arg7[%add3A_358] : memref<17600xi32, #tpu.memory_space<vmem>>[vector<16xi32>], vector<16xi32>,
      %add3A_360 = arith.constant 200 : i32
      %add3A_361 = vector.broadcast %add3A_360 : i32 to vector<16xi32>
      %add3A_362 = arith.addi %mul3A_326, %add3A_361 : vector<16xi32>
      %add3A_363 = arith.addi %add3A_362, %gather3A_359 : vector<16xi32>
      %gather3A_364 = tpu.vector_load_idx %arg5[%add3A_363] : memref<100000xf32, #tpu.memory_space<vmem>>[vector<16xi32>], vector<16xf32>,
      %add3A_365 = arith.addf %add3A_352, %gather3A_364 : vector<16xf32>
      %mul3A_366 = arith.constant 10 : i32
      %mul3A_367 = arith.muli %scan3A_320, %mul3A_366 : i32
      %add3A_368 = arith.constant 3 : i32
      %add3A_369 = arith.addi %mul3A_367, %add3A_368 : i32
      %add3A_370 = vector.broadcast %add3A_369 : i32 to vector<16xi32>
      %add3A_371 = arith.addi %mul3A_12, %add3A_370 : vector<16xi32>
      %gather3A_372 = tpu.vector_load_idx %arg7[%add3A_371] : memref<17600xi32, #tpu.memory_space<vmem>>[vector<16xi32>], vector<16xi32>,
      %add3A_373 = arith.constant 300 : i32
      %add3A_374 = vector.broadcast %add3A_373 : i32 to vector<16xi32>
      %add3A_375 = arith.addi %mul3A_326, %add3A_374 : vector<16xi32>
      %add3A_376 = arith.addi %add3A_375, %gather3A_372 : vector<16xi32>
      %gather3A_377 = tpu.vector_load_idx %arg5[%add3A_376] : memref<100000xf32, #tpu.memory_space<vmem>>[vector<16xi32>], vector<16xf32>,
      %add3A_378 = arith.addf %add3A_365, %gather3A_377 : vector<16xf32>
      %mul3A_379 = arith.constant 10 : i32
      %mul3A_380 = arith.muli %scan3A_320, %mul3A_379 : i32
      %add3A_381 = arith.constant 4 : i32
      %add3A_382 = arith.addi %mul3A_380, %add3A_381 : i32
      %add3A_383 = vector.broadcast %add3A_382 : i32 to vector<16xi32>
      %add3A_384 = arith.addi %mul3A_12, %add3A_383 : vector<16xi32>
      %gather3A_385 = tpu.vector_load_idx %arg7[%add3A_384] : memref<17600xi32, #tpu.memory_space<vmem>>[vector<16xi32>], vector<16xi32>,
      %add3A_386 = arith.constant 400 : i32
      %add3A_387 = vector.broadcast %add3A_386 : i32 to vector<16xi32>
      %add3A_388 = arith.addi %mul3A_326, %add3A_387 : vector<16xi32>
      %add3A_389 = arith.addi %add3A_388, %gather3A_385 : vector<16xi32>
      %gather3A_390 = tpu.vector_load_idx %arg5[%add3A_389] : memref<100000xf32, #tpu.memory_space<vmem>>[vector<16xi32>], vector<16xf32>,
      %add3A_391 = arith.addf %add3A_378, %gather3A_390 : vector<16xf32>
      %mul3A_392 = arith.constant 10 : i32
      %mul3A_393 = arith.muli %scan3A_320, %mul3A_392 : i32
      %add3A_394 = arith.constant 5 : i32
      %add3A_395 = arith.addi %mul3A_393, %add3A_394 : i32
      %add3A_396 = vector.broadcast %add3A_395 : i32 to vector<16xi32>
      %add3A_397 = arith.addi %mul3A_12, %add3A_396 : vector<16xi32>
      %gather3A_398 = tpu.vector_load_idx %arg7[%add3A_397] : memref<17600xi32, #tpu.memory_space<vmem>>[vector<16xi32>], vector<16xi32>,
      %add3A_399 = arith.constant 500 : i32
      %add3A_400 = vector.broadcast %add3A_399 : i32 to vector<16xi32>
      %add3A_401 = arith.addi %mul3A_326, %add3A_400 : vector<16xi32>
      %add3A_402 = arith.addi %add3A_401, %gather3A_398 : vector<16xi32>
      %gather3A_403 = tpu.vector_load_idx %arg5[%add3A_402] : memref<100000xf32, #tpu.memory_space<vmem>>[vector<16xi32>], vector<16xf32>,
      %add3A_404 = arith.addf %add3A_391, %gather3A_403 : vector<16xf32>
      %mul3A_405 = arith.constant 10 : i32
      %mul3A_406 = arith.muli %scan3A_320, %mul3A_405 : i32
      %add3A_407 = arith.constant 6 : i32
      %add3A_408 = arith.addi %mul3A_406, %add3A_407 : i32
      %add3A_409 = vector.broadcast %add3A_408 : i32 to vector<16xi32>
      %add3A_410 = arith.addi %mul3A_12, %add3A_409 : vector<16xi32>
      %gather3A_411 = tpu.vector_load_idx %arg7[%add3A_410] : memref<17600xi32, #tpu.memory_space<vmem>>[vector<16xi32>], vector<16xi32>,
      %add3A_412 = arith.constant 600 : i32
      %add3A_413 = vector.broadcast %add3A_412 : i32 to vector<16xi32>
      %add3A_414 = arith.addi %mul3A_326, %add3A_413 : vector<16xi32>
      %add3A_415 = arith.addi %add3A_414, %gather3A_411 : vector<16xi32>
      %gather3A_416 = tpu.vector_load_idx %arg5[%add3A_415] : memref<100000xf32, #tpu.memory_space<vmem>>[vector<16xi32>], vector<16xf32>,
      %add3A_417 = arith.addf %add3A_404, %gather3A_416 : vector<16xf32>
      %mul3A_418 = arith.constant 10 : i32
      %mul3A_419 = arith.muli %scan3A_320, %mul3A_418 : i32
      %add3A_420 = arith.constant 7 : i32
      %add3A_421 = arith.addi %mul3A_419, %add3A_420 : i32
      %add3A_422 = vector.broadcast %add3A_421 : i32 to vector<16xi32>
      %add3A_423 = arith.addi %mul3A_12, %add3A_422 : vector<16xi32>
      %gather3A_424 = tpu.vector_load_idx %arg7[%add3A_423] : memref<17600xi32, #tpu.memory_space<vmem>>[vector<16xi32>], vector<16xi32>,
      %add3A_425 = arith.constant 700 : i32
      %add3A_426 = vector.broadcast %add3A_425 : i32 to vector<16xi32>
      %add3A_427 = arith.addi %mul3A_326, %add3A_426 : vector<16xi32>
      %add3A_428 = arith.addi %add3A_427, %gather3A_424 : vector<16xi32>
      %gather3A_429 = tpu.vector_load_idx %arg5[%add3A_428] : memref<100000xf32, #tpu.memory_space<vmem>>[vector<16xi32>], vector<16xf32>,
      %add3A_430 = arith.addf %add3A_417, %gather3A_429 : vector<16xf32>
      %mul3A_431 = arith.constant 10 : i32
      %mul3A_432 = arith.muli %scan3A_320, %mul3A_431 : i32
      %add3A_433 = arith.constant 8 : i32
      %add3A_434 = arith.addi %mul3A_432, %add3A_433 : i32
      %add3A_435 = vector.broadcast %add3A_434 : i32 to vector<16xi32>
      %add3A_436 = arith.addi %mul3A_12, %add3A_435 : vector<16xi32>
      %gather3A_437 = tpu.vector_load_idx %arg7[%add3A_436] : memref<17600xi32, #tpu.memory_space<vmem>>[vector<16xi32>], vector<16xi32>,
      %add3A_438 = arith.constant 800 : i32
      %add3A_439 = vector.broadcast %add3A_438 : i32 to vector<16xi32>
      %add3A_440 = arith.addi %mul3A_326, %add3A_439 : vector<16xi32>
      %add3A_441 = arith.addi %add3A_440, %gather3A_437 : vector<16xi32>
      %gather3A_442 = tpu.vector_load_idx %arg5[%add3A_441] : memref<100000xf32, #tpu.memory_space<vmem>>[vector<16xi32>], vector<16xf32>,
      %add3A_443 = arith.addf %add3A_430, %gather3A_442 : vector<16xf32>
      %mul3A_444 = arith.constant 10 : i32
      %mul3A_445 = arith.muli %scan3A_320, %mul3A_444 : i32
      %add3A_446 = arith.constant 9 : i32
      %add3A_447 = arith.addi %mul3A_445, %add3A_446 : i32
      %add3A_448 = vector.broadcast %add3A_447 : i32 to vector<16xi32>
      %add3A_449 = arith.addi %mul3A_12, %add3A_448 : vector<16xi32>
      %gather3A_450 = tpu.vector_load_idx %arg7[%add3A_449] : memref<17600xi32, #tpu.memory_space<vmem>>[vector<16xi32>], vector<16xi32>,
      %add3A_451 = arith.constant 900 : i32
      %add3A_452 = vector.broadcast %add3A_451 : i32 to vector<16xi32>
      %add3A_453 = arith.addi %mul3A_326, %add3A_452 : vector<16xi32>
      %add3A_454 = arith.addi %add3A_453, %gather3A_450 : vector<16xi32>
      %gather3A_455 = tpu.vector_load_idx %arg5[%add3A_454] : memref<100000xf32, #tpu.memory_space<vmem>>[vector<16xi32>], vector<16xf32>,
      %add3A_456 = arith.addf %add3A_443, %gather3A_455 : vector<16xf32>
      %scan3A_457 = arith.constant 3 : i32
      %scan3A_458 = arith.addi %scan3A_44, %scan3A_457 : i32
      %add3A_459 = vector.broadcast %scan3A_458 : i32 to vector<16xi32>
      %add3A_460 = arith.addi %add3A_15, %add3A_459 : vector<16xi32>
      %gather3A_461 = tpu.vector_load_idx %arg7[%add3A_460] : memref<17600xi32, #tpu.memory_space<vmem>>[vector<16xi32>], vector<16xi32>,
      %mul3A_462 = arith.constant 1000 : i32
      %mul3A_463 = vector.broadcast %mul3A_462 : i32 to vector<16xi32>
      %mul3A_464 = arith.muli %gather3A_461, %mul3A_463 : vector<16xi32>
      %mul3A_465 = arith.constant 10 : i32
      %mul3A_466 = arith.muli %scan3A_458, %mul3A_465 : i32
      %add3A_467 = arith.constant 0 : i32
      %add3A_468 = arith.addi %mul3A_466, %add3A_467 : i32
      %add3A_469 = vector.broadcast %add3A_468 : i32 to vector<16xi32>
      %add3A_470 = arith.addi %mul3A_12, %add3A_469 : vector<16xi32>
      %gather3A_471 = tpu.vector_load_idx %arg7[%add3A_470] : memref<17600xi32, #tpu.memory_space<vmem>>[vector<16xi32>], vector<16xi32>,
      %add3A_472 = arith.constant 0 : i32
      %add3A_473 = vector.broadcast %add3A_472 : i32 to vector<16xi32>
      %add3A_474 = arith.addi %mul3A_464, %add3A_473 : vector<16xi32>
      %add3A_475 = arith.addi %add3A_474, %gather3A_471 : vector<16xi32>
      %gather3A_476 = tpu.vector_load_idx %arg5[%add3A_475] : memref<100000xf32, #tpu.memory_space<vmem>>[vector<16xi32>], vector<16xf32>,
      %add3A_477 = arith.addf %add3A_456, %gather3A_476 : vector<16xf32>
      %mul3A_478 = arith.constant 10 : i32
      %mul3A_479 = arith.muli %scan3A_458, %mul3A_478 : i32
      %add3A_480 = arith.constant 1 : i32
      %add3A_481 = arith.addi %mul3A_479, %add3A_480 : i32
      %add3A_482 = vector.broadcast %add3A_481 : i32 to vector<16xi32>
      %add3A_483 = arith.addi %mul3A_12, %add3A_482 : vector<16xi32>
      %gather3A_484 = tpu.vector_load_idx %arg7[%add3A_483] : memref<17600xi32, #tpu.memory_space<vmem>>[vector<16xi32>], vector<16xi32>,
      %add3A_485 = arith.constant 100 : i32
      %add3A_486 = vector.broadcast %add3A_485 : i32 to vector<16xi32>
      %add3A_487 = arith.addi %mul3A_464, %add3A_486 : vector<16xi32>
      %add3A_488 = arith.addi %add3A_487, %gather3A_484 : vector<16xi32>
      %gather3A_489 = tpu.vector_load_idx %arg5[%add3A_488] : memref<100000xf32, #tpu.memory_space<vmem>>[vector<16xi32>], vector<16xf32>,
      %add3A_490 = arith.addf %add3A_477, %gather3A_489 : vector<16xf32>
      %mul3A_491 = arith.constant 10 : i32
      %mul3A_492 = arith.muli %scan3A_458, %mul3A_491 : i32
      %add3A_493 = arith.constant 2 : i32
      %add3A_494 = arith.addi %mul3A_492, %add3A_493 : i32
      %add3A_495 = vector.broadcast %add3A_494 : i32 to vector<16xi32>
      %add3A_496 = arith.addi %mul3A_12, %add3A_495 : vector<16xi32>
      %gather3A_497 = tpu.vector_load_idx %arg7[%add3A_496] : memref<17600xi32, #tpu.memory_space<vmem>>[vector<16xi32>], vector<16xi32>,
      %add3A_498 = arith.constant 200 : i32
      %add3A_499 = vector.broadcast %add3A_498 : i32 to vector<16xi32>
      %add3A_500 = arith.addi %mul3A_464, %add3A_499 : vector<16xi32>
      %add3A_501 = arith.addi %add3A_500, %gather3A_497 : vector<16xi32>
      %gather3A_502 = tpu.vector_load_idx %arg5[%add3A_501] : memref<100000xf32, #tpu.memory_space<vmem>>[vector<16xi32>], vector<16xf32>,
      %add3A_503 = arith.addf %add3A_490, %gather3A_502 : vector<16xf32>
      %mul3A_504 = arith.constant 10 : i32
      %mul3A_505 = arith.muli %scan3A_458, %mul3A_504 : i32
      %add3A_506 = arith.constant 3 : i32
      %add3A_507 = arith.addi %mul3A_505, %add3A_506 : i32
      %add3A_508 = vector.broadcast %add3A_507 : i32 to vector<16xi32>
      %add3A_509 = arith.addi %mul3A_12, %add3A_508 : vector<16xi32>
      %gather3A_510 = tpu.vector_load_idx %arg7[%add3A_509] : memref<17600xi32, #tpu.memory_space<vmem>>[vector<16xi32>], vector<16xi32>,
      %add3A_511 = arith.constant 300 : i32
      %add3A_512 = vector.broadcast %add3A_511 : i32 to vector<16xi32>
      %add3A_513 = arith.addi %mul3A_464, %add3A_512 : vector<16xi32>
      %add3A_514 = arith.addi %add3A_513, %gather3A_510 : vector<16xi32>
      %gather3A_515 = tpu.vector_load_idx %arg5[%add3A_514] : memref<100000xf32, #tpu.memory_space<vmem>>[vector<16xi32>], vector<16xf32>,
      %add3A_516 = arith.addf %add3A_503, %gather3A_515 : vector<16xf32>
      %mul3A_517 = arith.constant 10 : i32
      %mul3A_518 = arith.muli %scan3A_458, %mul3A_517 : i32
      %add3A_519 = arith.constant 4 : i32
      %add3A_520 = arith.addi %mul3A_518, %add3A_519 : i32
      %add3A_521 = vector.broadcast %add3A_520 : i32 to vector<16xi32>
      %add3A_522 = arith.addi %mul3A_12, %add3A_521 : vector<16xi32>
      %gather3A_523 = tpu.vector_load_idx %arg7[%add3A_522] : memref<17600xi32, #tpu.memory_space<vmem>>[vector<16xi32>], vector<16xi32>,
      %add3A_524 = arith.constant 400 : i32
      %add3A_525 = vector.broadcast %add3A_524 : i32 to vector<16xi32>
      %add3A_526 = arith.addi %mul3A_464, %add3A_525 : vector<16xi32>
      %add3A_527 = arith.addi %add3A_526, %gather3A_523 : vector<16xi32>
      %gather3A_528 = tpu.vector_load_idx %arg5[%add3A_527] : memref<100000xf32, #tpu.memory_space<vmem>>[vector<16xi32>], vector<16xf32>,
      %add3A_529 = arith.addf %add3A_516, %gather3A_528 : vector<16xf32>
      %mul3A_530 = arith.constant 10 : i32
      %mul3A_531 = arith.muli %scan3A_458, %mul3A_530 : i32
      %add3A_532 = arith.constant 5 : i32
      %add3A_533 = arith.addi %mul3A_531, %add3A_532 : i32
      %add3A_534 = vector.broadcast %add3A_533 : i32 to vector<16xi32>
      %add3A_535 = arith.addi %mul3A_12, %add3A_534 : vector<16xi32>
      %gather3A_536 = tpu.vector_load_idx %arg7[%add3A_535] : memref<17600xi32, #tpu.memory_space<vmem>>[vector<16xi32>], vector<16xi32>,
      %add3A_537 = arith.constant 500 : i32
      %add3A_538 = vector.broadcast %add3A_537 : i32 to vector<16xi32>
      %add3A_539 = arith.addi %mul3A_464, %add3A_538 : vector<16xi32>
      %add3A_540 = arith.addi %add3A_539, %gather3A_536 : vector<16xi32>
      %gather3A_541 = tpu.vector_load_idx %arg5[%add3A_540] : memref<100000xf32, #tpu.memory_space<vmem>>[vector<16xi32>], vector<16xf32>,
      %add3A_542 = arith.addf %add3A_529, %gather3A_541 : vector<16xf32>
      %mul3A_543 = arith.constant 10 : i32
      %mul3A_544 = arith.muli %scan3A_458, %mul3A_543 : i32
      %add3A_545 = arith.constant 6 : i32
      %add3A_546 = arith.addi %mul3A_544, %add3A_545 : i32
      %add3A_547 = vector.broadcast %add3A_546 : i32 to vector<16xi32>
      %add3A_548 = arith.addi %mul3A_12, %add3A_547 : vector<16xi32>
      %gather3A_549 = tpu.vector_load_idx %arg7[%add3A_548] : memref<17600xi32, #tpu.memory_space<vmem>>[vector<16xi32>], vector<16xi32>,
      %add3A_550 = arith.constant 600 : i32
      %add3A_551 = vector.broadcast %add3A_550 : i32 to vector<16xi32>
      %add3A_552 = arith.addi %mul3A_464, %add3A_551 : vector<16xi32>
      %add3A_553 = arith.addi %add3A_552, %gather3A_549 : vector<16xi32>
      %gather3A_554 = tpu.vector_load_idx %arg5[%add3A_553] : memref<100000xf32, #tpu.memory_space<vmem>>[vector<16xi32>], vector<16xf32>,
      %add3A_555 = arith.addf %add3A_542, %gather3A_554 : vector<16xf32>
      %mul3A_556 = arith.constant 10 : i32
      %mul3A_557 = arith.muli %scan3A_458, %mul3A_556 : i32
      %add3A_558 = arith.constant 7 : i32
      %add3A_559 = arith.addi %mul3A_557, %add3A_558 : i32
      %add3A_560 = vector.broadcast %add3A_559 : i32 to vector<16xi32>
      %add3A_561 = arith.addi %mul3A_12, %add3A_560 : vector<16xi32>
      %gather3A_562 = tpu.vector_load_idx %arg7[%add3A_561] : memref<17600xi32, #tpu.memory_space<vmem>>[vector<16xi32>], vector<16xi32>,
      %add3A_563 = arith.constant 700 : i32
      %add3A_564 = vector.broadcast %add3A_563 : i32 to vector<16xi32>
      %add3A_565 = arith.addi %mul3A_464, %add3A_564 : vector<16xi32>
      %add3A_566 = arith.addi %add3A_565, %gather3A_562 : vector<16xi32>
      %gather3A_567 = tpu.vector_load_idx %arg5[%add3A_566] : memref<100000xf32, #tpu.memory_space<vmem>>[vector<16xi32>], vector<16xf32>,
      %add3A_568 = arith.addf %add3A_555, %gather3A_567 : vector<16xf32>
      %mul3A_569 = arith.constant 10 : i32
      %mul3A_570 = arith.muli %scan3A_458, %mul3A_569 : i32
      %add3A_571 = arith.constant 8 : i32
      %add3A_572 = arith.addi %mul3A_570, %add3A_571 : i32
      %add3A_573 = vector.broadcast %add3A_572 : i32 to vector<16xi32>
      %add3A_574 = arith.addi %mul3A_12, %add3A_573 : vector<16xi32>
      %gather3A_575 = tpu.vector_load_idx %arg7[%add3A_574] : memref<17600xi32, #tpu.memory_space<vmem>>[vector<16xi32>], vector<16xi32>,
      %add3A_576 = arith.constant 800 : i32
      %add3A_577 = vector.broadcast %add3A_576 : i32 to vector<16xi32>
      %add3A_578 = arith.addi %mul3A_464, %add3A_577 : vector<16xi32>
      %add3A_579 = arith.addi %add3A_578, %gather3A_575 : vector<16xi32>
      %gather3A_580 = tpu.vector_load_idx %arg5[%add3A_579] : memref<100000xf32, #tpu.memory_space<vmem>>[vector<16xi32>], vector<16xf32>,
      %add3A_581 = arith.addf %add3A_568, %gather3A_580 : vector<16xf32>
      %mul3A_582 = arith.constant 10 : i32
      %mul3A_583 = arith.muli %scan3A_458, %mul3A_582 : i32
      %add3A_584 = arith.constant 9 : i32
      %add3A_585 = arith.addi %mul3A_583, %add3A_584 : i32
      %add3A_586 = vector.broadcast %add3A_585 : i32 to vector<16xi32>
      %add3A_587 = arith.addi %mul3A_12, %add3A_586 : vector<16xi32>
      %gather3A_588 = tpu.vector_load_idx %arg7[%add3A_587] : memref<17600xi32, #tpu.memory_space<vmem>>[vector<16xi32>], vector<16xi32>,
      %add3A_589 = arith.constant 900 : i32
      %add3A_590 = vector.broadcast %add3A_589 : i32 to vector<16xi32>
      %add3A_591 = arith.addi %mul3A_464, %add3A_590 : vector<16xi32>
      %add3A_592 = arith.addi %add3A_591, %gather3A_588 : vector<16xi32>
      %gather3A_593 = tpu.vector_load_idx %arg5[%add3A_592] : memref<100000xf32, #tpu.memory_space<vmem>>[vector<16xi32>], vector<16xf32>,
      %add3A_594 = arith.addf %add3A_581, %gather3A_593 : vector<16xf32>
      scf.yield %add3A_594 : vector<16xf32>
    }
    %scan3A_22 = arith.constant 100 : i32
    %swap3A = arith.constant 0 : index
    %swap3A_23 = tpu.vector_load %arg8[%swap3A] {strides = array<i32>} : memref<32xf32, #tpu.memory_space<vmem>>, vector<16xf32>,
    tpu.vector_store %arg8[%swap3A], %scan3A_21 {strides = array<i32>} : memref<32xf32, #tpu.memory_space<vmem>>, vector<16xf32>,
    %mul3A_24 = arith.constant 2 : i32
    %mul3A_25 = arith.muli %add3A, %mul3A_24 : i32
    %add3A_26 = arith.constant 1 : i32
    %add3A_27 = arith.addi %mul3A_25, %add3A_26 : i32
    %mul3A_28 = arith.constant 16 : i32
    %mul3A_29 = arith.muli %add3A_27, %mul3A_28 : i32
    %mul3A_30 = arith.constant 1100 : i32
    %mul3A_31 = arith.muli %mul3A_29, %mul3A_30 : i32
    "tpu.region"() ({
      %run_scoped3A = tpu.sem_alloc : memref<!tpu.dma_semaphore, #tpu.memory_space<semaphore_mem>>
      %dma_start3A_44 = tpu.memref_slice %arg3[%mul3A_31] : memref<1126400xi32, #tpu.memory_space<hbm>> -> memref<17600xi32, #tpu.memory_space<hbm>>
      %dma_start3A_45 = tpu.memref_slice %arg3[%mul3A_31] : memref<1126400xi32, #tpu.memory_space<hbm>> -> memref<17600xi32, #tpu.memory_space<hbm>>
      tpu.enqueue_dma source(%dma_start3A_45 : memref<17600xi32, #tpu.memory_space<hbm>>) target(%arg7 : memref<17600xi32, #tpu.memory_space<vmem>>) target_semaphore(%run_scoped3A : memref<!tpu.dma_semaphore, #tpu.memory_space<semaphore_mem>>)
      %dma_wait3A_46 = tpu.memref_slice %arg3[%mul3A_31] : memref<1126400xi32, #tpu.memory_space<hbm>> -> memref<17600xi32, #tpu.memory_space<hbm>>
      %dma_wait3A_47 = tpu.memref_slice %arg3[%mul3A_31] : memref<1126400xi32, #tpu.memory_space<hbm>> -> memref<17600xi32, #tpu.memory_space<hbm>>
      tpu.wait_dma2 semaphore(%run_scoped3A : memref<!tpu.dma_semaphore, #tpu.memory_space<semaphore_mem>>) src(%dma_wait3A_47 : memref<17600xi32, #tpu.memory_space<hbm>>) dst(%arg7 : memref<17600xi32, #tpu.memory_space<vmem>>)
      tpu.yield
    }) : () -> ()
    %broadcast_in_dim3A_32 = arith.constant 0.000000e+00 : f32
    %broadcast_in_dim3A_33 = vector.broadcast %broadcast_in_dim3A_32 : f32 to vector<16xf32>
    %scan3A_34 = arith.constant 0 : i32
    %scan3A_35 = arith.constant 100 : i32
    %scan3A_36 = arith.addi %scan3A_34, %scan3A_35 : i32
    %scan3A_37 = arith.constant 4 : i32
    %scan3A_38 = scf.for %scan3A_44 = %scan3A_34 to %scan3A_36 step %scan3A_37 iter_args(%scan3A_45 = %broadcast_in_dim3A_33) -> (vector<16xf32>)  : i32 {
      %add3A_46 = vector.broadcast %scan3A_44 : i32 to vector<16xi32>
      %add3A_47 = arith.addi %add3A_15, %add3A_46 : vector<16xi32>
      %gather3A = tpu.vector_load_idx %arg7[%add3A_47] : memref<17600xi32, #tpu.memory_space<vmem>>[vector<16xi32>], vector<16xi32>,
      %mul3A_48 = arith.constant 1000 : i32
      %mul3A_49 = vector.broadcast %mul3A_48 : i32 to vector<16xi32>
      %mul3A_50 = arith.muli %gather3A, %mul3A_49 : vector<16xi32>
      %mul3A_51 = arith.constant 10 : i32
      %mul3A_52 = arith.muli %scan3A_44, %mul3A_51 : i32
      %add3A_53 = arith.constant 0 : i32
      %add3A_54 = arith.addi %mul3A_52, %add3A_53 : i32
      %add3A_55 = vector.broadcast %add3A_54 : i32 to vector<16xi32>
      %add3A_56 = arith.addi %mul3A_12, %add3A_55 : vector<16xi32>
      %gather3A_57 = tpu.vector_load_idx %arg7[%add3A_56] : memref<17600xi32, #tpu.memory_space<vmem>>[vector<16xi32>], vector<16xi32>,
      %add3A_58 = arith.constant 0 : i32
      %add3A_59 = vector.broadcast %add3A_58 : i32 to vector<16xi32>
      %add3A_60 = arith.addi %mul3A_50, %add3A_59 : vector<16xi32>
      %add3A_61 = arith.addi %add3A_60, %gather3A_57 : vector<16xi32>
      %gather3A_62 = tpu.vector_load_idx %arg5[%add3A_61] : memref<100000xf32, #tpu.memory_space<vmem>>[vector<16xi32>], vector<16xf32>,
      %add3A_63 = arith.addf %scan3A_45, %gather3A_62 : vector<16xf32>
      %mul3A_64 = arith.constant 10 : i32
      %mul3A_65 = arith.muli %scan3A_44, %mul3A_64 : i32
      %add3A_66 = arith.constant 1 : i32
      %add3A_67 = arith.addi %mul3A_65, %add3A_66 : i32
      %add3A_68 = vector.broadcast %add3A_67 : i32 to vector<16xi32>
      %add3A_69 = arith.addi %mul3A_12, %add3A_68 : vector<16xi32>
      %gather3A_70 = tpu.vector_load_idx %arg7[%add3A_69] : memref<17600xi32, #tpu.memory_space<vmem>>[vector<16xi32>], vector<16xi32>,
      %add3A_71 = arith.constant 100 : i32
      %add3A_72 = vector.broadcast %add3A_71 : i32 to vector<16xi32>
      %add3A_73 = arith.addi %mul3A_50, %add3A_72 : vector<16xi32>
      %add3A_74 = arith.addi %add3A_73, %gather3A_70 : vector<16xi32>
      %gather3A_75 = tpu.vector_load_idx %arg5[%add3A_74] : memref<100000xf32, #tpu.memory_space<vmem>>[vector<16xi32>], vector<16xf32>,
      %add3A_76 = arith.addf %add3A_63, %gather3A_75 : vector<16xf32>
      %mul3A_77 = arith.constant 10 : i32
      %mul3A_78 = arith.muli %scan3A_44, %mul3A_77 : i32
      %add3A_79 = arith.constant 2 : i32
      %add3A_80 = arith.addi %mul3A_78, %add3A_79 : i32
      %add3A_81 = vector.broadcast %add3A_80 : i32 to vector<16xi32>
      %add3A_82 = arith.addi %mul3A_12, %add3A_81 : vector<16xi32>
      %gather3A_83 = tpu.vector_load_idx %arg7[%add3A_82] : memref<17600xi32, #tpu.memory_space<vmem>>[vector<16xi32>], vector<16xi32>,
      %add3A_84 = arith.constant 200 : i32
      %add3A_85 = vector.broadcast %add3A_84 : i32 to vector<16xi32>
      %add3A_86 = arith.addi %mul3A_50, %add3A_85 : vector<16xi32>
      %add3A_87 = arith.addi %add3A_86, %gather3A_83 : vector<16xi32>
      %gather3A_88 = tpu.vector_load_idx %arg5[%add3A_87] : memref<100000xf32, #tpu.memory_space<vmem>>[vector<16xi32>], vector<16xf32>,
      %add3A_89 = arith.addf %add3A_76, %gather3A_88 : vector<16xf32>
      %mul3A_90 = arith.constant 10 : i32
      %mul3A_91 = arith.muli %scan3A_44, %mul3A_90 : i32
      %add3A_92 = arith.constant 3 : i32
      %add3A_93 = arith.addi %mul3A_91, %add3A_92 : i32
      %add3A_94 = vector.broadcast %add3A_93 : i32 to vector<16xi32>
      %add3A_95 = arith.addi %mul3A_12, %add3A_94 : vector<16xi32>
      %gather3A_96 = tpu.vector_load_idx %arg7[%add3A_95] : memref<17600xi32, #tpu.memory_space<vmem>>[vector<16xi32>], vector<16xi32>,
      %add3A_97 = arith.constant 300 : i32
      %add3A_98 = vector.broadcast %add3A_97 : i32 to vector<16xi32>
      %add3A_99 = arith.addi %mul3A_50, %add3A_98 : vector<16xi32>
      %add3A_100 = arith.addi %add3A_99, %gather3A_96 : vector<16xi32>
      %gather3A_101 = tpu.vector_load_idx %arg5[%add3A_100] : memref<100000xf32, #tpu.memory_space<vmem>>[vector<16xi32>], vector<16xf32>,
      %add3A_102 = arith.addf %add3A_89, %gather3A_101 : vector<16xf32>
      %mul3A_103 = arith.constant 10 : i32
      %mul3A_104 = arith.muli %scan3A_44, %mul3A_103 : i32
      %add3A_105 = arith.constant 4 : i32
      %add3A_106 = arith.addi %mul3A_104, %add3A_105 : i32
      %add3A_107 = vector.broadcast %add3A_106 : i32 to vector<16xi32>
      %add3A_108 = arith.addi %mul3A_12, %add3A_107 : vector<16xi32>
      %gather3A_109 = tpu.vector_load_idx %arg7[%add3A_108] : memref<17600xi32, #tpu.memory_space<vmem>>[vector<16xi32>], vector<16xi32>,
      %add3A_110 = arith.constant 400 : i32
      %add3A_111 = vector.broadcast %add3A_110 : i32 to vector<16xi32>
      %add3A_112 = arith.addi %mul3A_50, %add3A_111 : vector<16xi32>
      %add3A_113 = arith.addi %add3A_112, %gather3A_109 : vector<16xi32>
      %gather3A_114 = tpu.vector_load_idx %arg5[%add3A_113] : memref<100000xf32, #tpu.memory_space<vmem>>[vector<16xi32>], vector<16xf32>,
      %add3A_115 = arith.addf %add3A_102, %gather3A_114 : vector<16xf32>
      %mul3A_116 = arith.constant 10 : i32
      %mul3A_117 = arith.muli %scan3A_44, %mul3A_116 : i32
      %add3A_118 = arith.constant 5 : i32
      %add3A_119 = arith.addi %mul3A_117, %add3A_118 : i32
      %add3A_120 = vector.broadcast %add3A_119 : i32 to vector<16xi32>
      %add3A_121 = arith.addi %mul3A_12, %add3A_120 : vector<16xi32>
      %gather3A_122 = tpu.vector_load_idx %arg7[%add3A_121] : memref<17600xi32, #tpu.memory_space<vmem>>[vector<16xi32>], vector<16xi32>,
      %add3A_123 = arith.constant 500 : i32
      %add3A_124 = vector.broadcast %add3A_123 : i32 to vector<16xi32>
      %add3A_125 = arith.addi %mul3A_50, %add3A_124 : vector<16xi32>
      %add3A_126 = arith.addi %add3A_125, %gather3A_122 : vector<16xi32>
      %gather3A_127 = tpu.vector_load_idx %arg5[%add3A_126] : memref<100000xf32, #tpu.memory_space<vmem>>[vector<16xi32>], vector<16xf32>,
      %add3A_128 = arith.addf %add3A_115, %gather3A_127 : vector<16xf32>
      %mul3A_129 = arith.constant 10 : i32
      %mul3A_130 = arith.muli %scan3A_44, %mul3A_129 : i32
      %add3A_131 = arith.constant 6 : i32
      %add3A_132 = arith.addi %mul3A_130, %add3A_131 : i32
      %add3A_133 = vector.broadcast %add3A_132 : i32 to vector<16xi32>
      %add3A_134 = arith.addi %mul3A_12, %add3A_133 : vector<16xi32>
      %gather3A_135 = tpu.vector_load_idx %arg7[%add3A_134] : memref<17600xi32, #tpu.memory_space<vmem>>[vector<16xi32>], vector<16xi32>,
      %add3A_136 = arith.constant 600 : i32
      %add3A_137 = vector.broadcast %add3A_136 : i32 to vector<16xi32>
      %add3A_138 = arith.addi %mul3A_50, %add3A_137 : vector<16xi32>
      %add3A_139 = arith.addi %add3A_138, %gather3A_135 : vector<16xi32>
      %gather3A_140 = tpu.vector_load_idx %arg5[%add3A_139] : memref<100000xf32, #tpu.memory_space<vmem>>[vector<16xi32>], vector<16xf32>,
      %add3A_141 = arith.addf %add3A_128, %gather3A_140 : vector<16xf32>
      %mul3A_142 = arith.constant 10 : i32
      %mul3A_143 = arith.muli %scan3A_44, %mul3A_142 : i32
      %add3A_144 = arith.constant 7 : i32
      %add3A_145 = arith.addi %mul3A_143, %add3A_144 : i32
      %add3A_146 = vector.broadcast %add3A_145 : i32 to vector<16xi32>
      %add3A_147 = arith.addi %mul3A_12, %add3A_146 : vector<16xi32>
      %gather3A_148 = tpu.vector_load_idx %arg7[%add3A_147] : memref<17600xi32, #tpu.memory_space<vmem>>[vector<16xi32>], vector<16xi32>,
      %add3A_149 = arith.constant 700 : i32
      %add3A_150 = vector.broadcast %add3A_149 : i32 to vector<16xi32>
      %add3A_151 = arith.addi %mul3A_50, %add3A_150 : vector<16xi32>
      %add3A_152 = arith.addi %add3A_151, %gather3A_148 : vector<16xi32>
      %gather3A_153 = tpu.vector_load_idx %arg5[%add3A_152] : memref<100000xf32, #tpu.memory_space<vmem>>[vector<16xi32>], vector<16xf32>,
      %add3A_154 = arith.addf %add3A_141, %gather3A_153 : vector<16xf32>
      %mul3A_155 = arith.constant 10 : i32
      %mul3A_156 = arith.muli %scan3A_44, %mul3A_155 : i32
      %add3A_157 = arith.constant 8 : i32
      %add3A_158 = arith.addi %mul3A_156, %add3A_157 : i32
      %add3A_159 = vector.broadcast %add3A_158 : i32 to vector<16xi32>
      %add3A_160 = arith.addi %mul3A_12, %add3A_159 : vector<16xi32>
      %gather3A_161 = tpu.vector_load_idx %arg7[%add3A_160] : memref<17600xi32, #tpu.memory_space<vmem>>[vector<16xi32>], vector<16xi32>,
      %add3A_162 = arith.constant 800 : i32
      %add3A_163 = vector.broadcast %add3A_162 : i32 to vector<16xi32>
      %add3A_164 = arith.addi %mul3A_50, %add3A_163 : vector<16xi32>
      %add3A_165 = arith.addi %add3A_164, %gather3A_161 : vector<16xi32>
      %gather3A_166 = tpu.vector_load_idx %arg5[%add3A_165] : memref<100000xf32, #tpu.memory_space<vmem>>[vector<16xi32>], vector<16xf32>,
      %add3A_167 = arith.addf %add3A_154, %gather3A_166 : vector<16xf32>
      %mul3A_168 = arith.constant 10 : i32
      %mul3A_169 = arith.muli %scan3A_44, %mul3A_168 : i32
      %add3A_170 = arith.constant 9 : i32
      %add3A_171 = arith.addi %mul3A_169, %add3A_170 : i32
      %add3A_172 = vector.broadcast %add3A_171 : i32 to vector<16xi32>
      %add3A_173 = arith.addi %mul3A_12, %add3A_172 : vector<16xi32>
      %gather3A_174 = tpu.vector_load_idx %arg7[%add3A_173] : memref<17600xi32, #tpu.memory_space<vmem>>[vector<16xi32>], vector<16xi32>,
      %add3A_175 = arith.constant 900 : i32
      %add3A_176 = vector.broadcast %add3A_175 : i32 to vector<16xi32>
      %add3A_177 = arith.addi %mul3A_50, %add3A_176 : vector<16xi32>
      %add3A_178 = arith.addi %add3A_177, %gather3A_174 : vector<16xi32>
      %gather3A_179 = tpu.vector_load_idx %arg5[%add3A_178] : memref<100000xf32, #tpu.memory_space<vmem>>[vector<16xi32>], vector<16xf32>,
      %add3A_180 = arith.addf %add3A_167, %gather3A_179 : vector<16xf32>
      %scan3A_181 = arith.constant 1 : i32
      %scan3A_182 = arith.addi %scan3A_44, %scan3A_181 : i32
      %add3A_183 = vector.broadcast %scan3A_182 : i32 to vector<16xi32>
      %add3A_184 = arith.addi %add3A_15, %add3A_183 : vector<16xi32>
      %gather3A_185 = tpu.vector_load_idx %arg7[%add3A_184] : memref<17600xi32, #tpu.memory_space<vmem>>[vector<16xi32>], vector<16xi32>,
      %mul3A_186 = arith.constant 1000 : i32
      %mul3A_187 = vector.broadcast %mul3A_186 : i32 to vector<16xi32>
      %mul3A_188 = arith.muli %gather3A_185, %mul3A_187 : vector<16xi32>
      %mul3A_189 = arith.constant 10 : i32
      %mul3A_190 = arith.muli %scan3A_182, %mul3A_189 : i32
      %add3A_191 = arith.constant 0 : i32
      %add3A_192 = arith.addi %mul3A_190, %add3A_191 : i32
      %add3A_193 = vector.broadcast %add3A_192 : i32 to vector<16xi32>
      %add3A_194 = arith.addi %mul3A_12, %add3A_193 : vector<16xi32>
      %gather3A_195 = tpu.vector_load_idx %arg7[%add3A_194] : memref<17600xi32, #tpu.memory_space<vmem>>[vector<16xi32>], vector<16xi32>,
      %add3A_196 = arith.constant 0 : i32
      %add3A_197 = vector.broadcast %add3A_196 : i32 to vector<16xi32>
      %add3A_198 = arith.addi %mul3A_188, %add3A_197 : vector<16xi32>
      %add3A_199 = arith.addi %add3A_198, %gather3A_195 : vector<16xi32>
      %gather3A_200 = tpu.vector_load_idx %arg5[%add3A_199] : memref<100000xf32, #tpu.memory_space<vmem>>[vector<16xi32>], vector<16xf32>,
      %add3A_201 = arith.addf %add3A_180, %gather3A_200 : vector<16xf32>
      %mul3A_202 = arith.constant 10 : i32
      %mul3A_203 = arith.muli %scan3A_182, %mul3A_202 : i32
      %add3A_204 = arith.constant 1 : i32
      %add3A_205 = arith.addi %mul3A_203, %add3A_204 : i32
      %add3A_206 = vector.broadcast %add3A_205 : i32 to vector<16xi32>
      %add3A_207 = arith.addi %mul3A_12, %add3A_206 : vector<16xi32>
      %gather3A_208 = tpu.vector_load_idx %arg7[%add3A_207] : memref<17600xi32, #tpu.memory_space<vmem>>[vector<16xi32>], vector<16xi32>,
      %add3A_209 = arith.constant 100 : i32
      %add3A_210 = vector.broadcast %add3A_209 : i32 to vector<16xi32>
      %add3A_211 = arith.addi %mul3A_188, %add3A_210 : vector<16xi32>
      %add3A_212 = arith.addi %add3A_211, %gather3A_208 : vector<16xi32>
      %gather3A_213 = tpu.vector_load_idx %arg5[%add3A_212] : memref<100000xf32, #tpu.memory_space<vmem>>[vector<16xi32>], vector<16xf32>,
      %add3A_214 = arith.addf %add3A_201, %gather3A_213 : vector<16xf32>
      %mul3A_215 = arith.constant 10 : i32
      %mul3A_216 = arith.muli %scan3A_182, %mul3A_215 : i32
      %add3A_217 = arith.constant 2 : i32
      %add3A_218 = arith.addi %mul3A_216, %add3A_217 : i32
      %add3A_219 = vector.broadcast %add3A_218 : i32 to vector<16xi32>
      %add3A_220 = arith.addi %mul3A_12, %add3A_219 : vector<16xi32>
      %gather3A_221 = tpu.vector_load_idx %arg7[%add3A_220] : memref<17600xi32, #tpu.memory_space<vmem>>[vector<16xi32>], vector<16xi32>,
      %add3A_222 = arith.constant 200 : i32
      %add3A_223 = vector.broadcast %add3A_222 : i32 to vector<16xi32>
      %add3A_224 = arith.addi %mul3A_188, %add3A_223 : vector<16xi32>
      %add3A_225 = arith.addi %add3A_224, %gather3A_221 : vector<16xi32>
      %gather3A_226 = tpu.vector_load_idx %arg5[%add3A_225] : memref<100000xf32, #tpu.memory_space<vmem>>[vector<16xi32>], vector<16xf32>,
      %add3A_227 = arith.addf %add3A_214, %gather3A_226 : vector<16xf32>
      %mul3A_228 = arith.constant 10 : i32
      %mul3A_229 = arith.muli %scan3A_182, %mul3A_228 : i32
      %add3A_230 = arith.constant 3 : i32
      %add3A_231 = arith.addi %mul3A_229, %add3A_230 : i32
      %add3A_232 = vector.broadcast %add3A_231 : i32 to vector<16xi32>
      %add3A_233 = arith.addi %mul3A_12, %add3A_232 : vector<16xi32>
      %gather3A_234 = tpu.vector_load_idx %arg7[%add3A_233] : memref<17600xi32, #tpu.memory_space<vmem>>[vector<16xi32>], vector<16xi32>,
      %add3A_235 = arith.constant 300 : i32
      %add3A_236 = vector.broadcast %add3A_235 : i32 to vector<16xi32>
      %add3A_237 = arith.addi %mul3A_188, %add3A_236 : vector<16xi32>
      %add3A_238 = arith.addi %add3A_237, %gather3A_234 : vector<16xi32>
      %gather3A_239 = tpu.vector_load_idx %arg5[%add3A_238] : memref<100000xf32, #tpu.memory_space<vmem>>[vector<16xi32>], vector<16xf32>,
      %add3A_240 = arith.addf %add3A_227, %gather3A_239 : vector<16xf32>
      %mul3A_241 = arith.constant 10 : i32
      %mul3A_242 = arith.muli %scan3A_182, %mul3A_241 : i32
      %add3A_243 = arith.constant 4 : i32
      %add3A_244 = arith.addi %mul3A_242, %add3A_243 : i32
      %add3A_245 = vector.broadcast %add3A_244 : i32 to vector<16xi32>
      %add3A_246 = arith.addi %mul3A_12, %add3A_245 : vector<16xi32>
      %gather3A_247 = tpu.vector_load_idx %arg7[%add3A_246] : memref<17600xi32, #tpu.memory_space<vmem>>[vector<16xi32>], vector<16xi32>,
      %add3A_248 = arith.constant 400 : i32
      %add3A_249 = vector.broadcast %add3A_248 : i32 to vector<16xi32>
      %add3A_250 = arith.addi %mul3A_188, %add3A_249 : vector<16xi32>
      %add3A_251 = arith.addi %add3A_250, %gather3A_247 : vector<16xi32>
      %gather3A_252 = tpu.vector_load_idx %arg5[%add3A_251] : memref<100000xf32, #tpu.memory_space<vmem>>[vector<16xi32>], vector<16xf32>,
      %add3A_253 = arith.addf %add3A_240, %gather3A_252 : vector<16xf32>
      %mul3A_254 = arith.constant 10 : i32
      %mul3A_255 = arith.muli %scan3A_182, %mul3A_254 : i32
      %add3A_256 = arith.constant 5 : i32
      %add3A_257 = arith.addi %mul3A_255, %add3A_256 : i32
      %add3A_258 = vector.broadcast %add3A_257 : i32 to vector<16xi32>
      %add3A_259 = arith.addi %mul3A_12, %add3A_258 : vector<16xi32>
      %gather3A_260 = tpu.vector_load_idx %arg7[%add3A_259] : memref<17600xi32, #tpu.memory_space<vmem>>[vector<16xi32>], vector<16xi32>,
      %add3A_261 = arith.constant 500 : i32
      %add3A_262 = vector.broadcast %add3A_261 : i32 to vector<16xi32>
      %add3A_263 = arith.addi %mul3A_188, %add3A_262 : vector<16xi32>
      %add3A_264 = arith.addi %add3A_263, %gather3A_260 : vector<16xi32>
      %gather3A_265 = tpu.vector_load_idx %arg5[%add3A_264] : memref<100000xf32, #tpu.memory_space<vmem>>[vector<16xi32>], vector<16xf32>,
      %add3A_266 = arith.addf %add3A_253, %gather3A_265 : vector<16xf32>
      %mul3A_267 = arith.constant 10 : i32
      %mul3A_268 = arith.muli %scan3A_182, %mul3A_267 : i32
      %add3A_269 = arith.constant 6 : i32
      %add3A_270 = arith.addi %mul3A_268, %add3A_269 : i32
      %add3A_271 = vector.broadcast %add3A_270 : i32 to vector<16xi32>
      %add3A_272 = arith.addi %mul3A_12, %add3A_271 : vector<16xi32>
      %gather3A_273 = tpu.vector_load_idx %arg7[%add3A_272] : memref<17600xi32, #tpu.memory_space<vmem>>[vector<16xi32>], vector<16xi32>,
      %add3A_274 = arith.constant 600 : i32
      %add3A_275 = vector.broadcast %add3A_274 : i32 to vector<16xi32>
      %add3A_276 = arith.addi %mul3A_188, %add3A_275 : vector<16xi32>
      %add3A_277 = arith.addi %add3A_276, %gather3A_273 : vector<16xi32>
      %gather3A_278 = tpu.vector_load_idx %arg5[%add3A_277] : memref<100000xf32, #tpu.memory_space<vmem>>[vector<16xi32>], vector<16xf32>,
      %add3A_279 = arith.addf %add3A_266, %gather3A_278 : vector<16xf32>
      %mul3A_280 = arith.constant 10 : i32
      %mul3A_281 = arith.muli %scan3A_182, %mul3A_280 : i32
      %add3A_282 = arith.constant 7 : i32
      %add3A_283 = arith.addi %mul3A_281, %add3A_282 : i32
      %add3A_284 = vector.broadcast %add3A_283 : i32 to vector<16xi32>
      %add3A_285 = arith.addi %mul3A_12, %add3A_284 : vector<16xi32>
      %gather3A_286 = tpu.vector_load_idx %arg7[%add3A_285] : memref<17600xi32, #tpu.memory_space<vmem>>[vector<16xi32>], vector<16xi32>,
      %add3A_287 = arith.constant 700 : i32
      %add3A_288 = vector.broadcast %add3A_287 : i32 to vector<16xi32>
      %add3A_289 = arith.addi %mul3A_188, %add3A_288 : vector<16xi32>
      %add3A_290 = arith.addi %add3A_289, %gather3A_286 : vector<16xi32>
      %gather3A_291 = tpu.vector_load_idx %arg5[%add3A_290] : memref<100000xf32, #tpu.memory_space<vmem>>[vector<16xi32>], vector<16xf32>,
      %add3A_292 = arith.addf %add3A_279, %gather3A_291 : vector<16xf32>
      %mul3A_293 = arith.constant 10 : i32
      %mul3A_294 = arith.muli %scan3A_182, %mul3A_293 : i32
      %add3A_295 = arith.constant 8 : i32
      %add3A_296 = arith.addi %mul3A_294, %add3A_295 : i32
      %add3A_297 = vector.broadcast %add3A_296 : i32 to vector<16xi32>
      %add3A_298 = arith.addi %mul3A_12, %add3A_297 : vector<16xi32>
      %gather3A_299 = tpu.vector_load_idx %arg7[%add3A_298] : memref<17600xi32, #tpu.memory_space<vmem>>[vector<16xi32>], vector<16xi32>,
      %add3A_300 = arith.constant 800 : i32
      %add3A_301 = vector.broadcast %add3A_300 : i32 to vector<16xi32>
      %add3A_302 = arith.addi %mul3A_188, %add3A_301 : vector<16xi32>
      %add3A_303 = arith.addi %add3A_302, %gather3A_299 : vector<16xi32>
      %gather3A_304 = tpu.vector_load_idx %arg5[%add3A_303] : memref<100000xf32, #tpu.memory_space<vmem>>[vector<16xi32>], vector<16xf32>,
      %add3A_305 = arith.addf %add3A_292, %gather3A_304 : vector<16xf32>
      %mul3A_306 = arith.constant 10 : i32
      %mul3A_307 = arith.muli %scan3A_182, %mul3A_306 : i32
      %add3A_308 = arith.constant 9 : i32
      %add3A_309 = arith.addi %mul3A_307, %add3A_308 : i32
      %add3A_310 = vector.broadcast %add3A_309 : i32 to vector<16xi32>
      %add3A_311 = arith.addi %mul3A_12, %add3A_310 : vector<16xi32>
      %gather3A_312 = tpu.vector_load_idx %arg7[%add3A_311] : memref<17600xi32, #tpu.memory_space<vmem>>[vector<16xi32>], vector<16xi32>,
      %add3A_313 = arith.constant 900 : i32
      %add3A_314 = vector.broadcast %add3A_313 : i32 to vector<16xi32>
      %add3A_315 = arith.addi %mul3A_188, %add3A_314 : vector<16xi32>
      %add3A_316 = arith.addi %add3A_315, %gather3A_312 : vector<16xi32>
      %gather3A_317 = tpu.vector_load_idx %arg5[%add3A_316] : memref<100000xf32, #tpu.memory_space<vmem>>[vector<16xi32>], vector<16xf32>,
      %add3A_318 = arith.addf %add3A_305, %gather3A_317 : vector<16xf32>
      %scan3A_319 = arith.constant 2 : i32
      %scan3A_320 = arith.addi %scan3A_44, %scan3A_319 : i32
      %add3A_321 = vector.broadcast %scan3A_320 : i32 to vector<16xi32>
      %add3A_322 = arith.addi %add3A_15, %add3A_321 : vector<16xi32>
      %gather3A_323 = tpu.vector_load_idx %arg7[%add3A_322] : memref<17600xi32, #tpu.memory_space<vmem>>[vector<16xi32>], vector<16xi32>,
      %mul3A_324 = arith.constant 1000 : i32
      %mul3A_325 = vector.broadcast %mul3A_324 : i32 to vector<16xi32>
      %mul3A_326 = arith.muli %gather3A_323, %mul3A_325 : vector<16xi32>
      %mul3A_327 = arith.constant 10 : i32
      %mul3A_328 = arith.muli %scan3A_320, %mul3A_327 : i32
      %add3A_329 = arith.constant 0 : i32
      %add3A_330 = arith.addi %mul3A_328, %add3A_329 : i32
      %add3A_331 = vector.broadcast %add3A_330 : i32 to vector<16xi32>
      %add3A_332 = arith.addi %mul3A_12, %add3A_331 : vector<16xi32>
      %gather3A_333 = tpu.vector_load_idx %arg7[%add3A_332] : memref<17600xi32, #tpu.memory_space<vmem>>[vector<16xi32>], vector<16xi32>,
      %add3A_334 = arith.constant 0 : i32
      %add3A_335 = vector.broadcast %add3A_334 : i32 to vector<16xi32>
      %add3A_336 = arith.addi %mul3A_326, %add3A_335 : vector<16xi32>
      %add3A_337 = arith.addi %add3A_336, %gather3A_333 : vector<16xi32>
      %gather3A_338 = tpu.vector_load_idx %arg5[%add3A_337] : memref<100000xf32, #tpu.memory_space<vmem>>[vector<16xi32>], vector<16xf32>,
      %add3A_339 = arith.addf %add3A_318, %gather3A_338 : vector<16xf32>
      %mul3A_340 = arith.constant 10 : i32
      %mul3A_341 = arith.muli %scan3A_320, %mul3A_340 : i32
      %add3A_342 = arith.constant 1 : i32
      %add3A_343 = arith.addi %mul3A_341, %add3A_342 : i32
      %add3A_344 = vector.broadcast %add3A_343 : i32 to vector<16xi32>
      %add3A_345 = arith.addi %mul3A_12, %add3A_344 : vector<16xi32>
      %gather3A_346 = tpu.vector_load_idx %arg7[%add3A_345] : memref<17600xi32, #tpu.memory_space<vmem>>[vector<16xi32>], vector<16xi32>,
      %add3A_347 = arith.constant 100 : i32
      %add3A_348 = vector.broadcast %add3A_347 : i32 to vector<16xi32>
      %add3A_349 = arith.addi %mul3A_326, %add3A_348 : vector<16xi32>
      %add3A_350 = arith.addi %add3A_349, %gather3A_346 : vector<16xi32>
      %gather3A_351 = tpu.vector_load_idx %arg5[%add3A_350] : memref<100000xf32, #tpu.memory_space<vmem>>[vector<16xi32>], vector<16xf32>,
      %add3A_352 = arith.addf %add3A_339, %gather3A_351 : vector<16xf32>
      %mul3A_353 = arith.constant 10 : i32
      %mul3A_354 = arith.muli %scan3A_320, %mul3A_353 : i32
      %add3A_355 = arith.constant 2 : i32
      %add3A_356 = arith.addi %mul3A_354, %add3A_355 : i32
      %add3A_357 = vector.broadcast %add3A_356 : i32 to vector<16xi32>
      %add3A_358 = arith.addi %mul3A_12, %add3A_357 : vector<16xi32>
      %gather3A_359 = tpu.vector_load_idx %arg7[%add3A_358] : memref<17600xi32, #tpu.memory_space<vmem>>[vector<16xi32>], vector<16xi32>,
      %add3A_360 = arith.constant 200 : i32
      %add3A_361 = vector.broadcast %add3A_360 : i32 to vector<16xi32>
      %add3A_362 = arith.addi %mul3A_326, %add3A_361 : vector<16xi32>
      %add3A_363 = arith.addi %add3A_362, %gather3A_359 : vector<16xi32>
      %gather3A_364 = tpu.vector_load_idx %arg5[%add3A_363] : memref<100000xf32, #tpu.memory_space<vmem>>[vector<16xi32>], vector<16xf32>,
      %add3A_365 = arith.addf %add3A_352, %gather3A_364 : vector<16xf32>
      %mul3A_366 = arith.constant 10 : i32
      %mul3A_367 = arith.muli %scan3A_320, %mul3A_366 : i32
      %add3A_368 = arith.constant 3 : i32
      %add3A_369 = arith.addi %mul3A_367, %add3A_368 : i32
      %add3A_370 = vector.broadcast %add3A_369 : i32 to vector<16xi32>
      %add3A_371 = arith.addi %mul3A_12, %add3A_370 : vector<16xi32>
      %gather3A_372 = tpu.vector_load_idx %arg7[%add3A_371] : memref<17600xi32, #tpu.memory_space<vmem>>[vector<16xi32>], vector<16xi32>,
      %add3A_373 = arith.constant 300 : i32
      %add3A_374 = vector.broadcast %add3A_373 : i32 to vector<16xi32>
      %add3A_375 = arith.addi %mul3A_326, %add3A_374 : vector<16xi32>
      %add3A_376 = arith.addi %add3A_375, %gather3A_372 : vector<16xi32>
      %gather3A_377 = tpu.vector_load_idx %arg5[%add3A_376] : memref<100000xf32, #tpu.memory_space<vmem>>[vector<16xi32>], vector<16xf32>,
      %add3A_378 = arith.addf %add3A_365, %gather3A_377 : vector<16xf32>
      %mul3A_379 = arith.constant 10 : i32
      %mul3A_380 = arith.muli %scan3A_320, %mul3A_379 : i32
      %add3A_381 = arith.constant 4 : i32
      %add3A_382 = arith.addi %mul3A_380, %add3A_381 : i32
      %add3A_383 = vector.broadcast %add3A_382 : i32 to vector<16xi32>
      %add3A_384 = arith.addi %mul3A_12, %add3A_383 : vector<16xi32>
      %gather3A_385 = tpu.vector_load_idx %arg7[%add3A_384] : memref<17600xi32, #tpu.memory_space<vmem>>[vector<16xi32>], vector<16xi32>,
      %add3A_386 = arith.constant 400 : i32
      %add3A_387 = vector.broadcast %add3A_386 : i32 to vector<16xi32>
      %add3A_388 = arith.addi %mul3A_326, %add3A_387 : vector<16xi32>
      %add3A_389 = arith.addi %add3A_388, %gather3A_385 : vector<16xi32>
      %gather3A_390 = tpu.vector_load_idx %arg5[%add3A_389] : memref<100000xf32, #tpu.memory_space<vmem>>[vector<16xi32>], vector<16xf32>,
      %add3A_391 = arith.addf %add3A_378, %gather3A_390 : vector<16xf32>
      %mul3A_392 = arith.constant 10 : i32
      %mul3A_393 = arith.muli %scan3A_320, %mul3A_392 : i32
      %add3A_394 = arith.constant 5 : i32
      %add3A_395 = arith.addi %mul3A_393, %add3A_394 : i32
      %add3A_396 = vector.broadcast %add3A_395 : i32 to vector<16xi32>
      %add3A_397 = arith.addi %mul3A_12, %add3A_396 : vector<16xi32>
      %gather3A_398 = tpu.vector_load_idx %arg7[%add3A_397] : memref<17600xi32, #tpu.memory_space<vmem>>[vector<16xi32>], vector<16xi32>,
      %add3A_399 = arith.constant 500 : i32
      %add3A_400 = vector.broadcast %add3A_399 : i32 to vector<16xi32>
      %add3A_401 = arith.addi %mul3A_326, %add3A_400 : vector<16xi32>
      %add3A_402 = arith.addi %add3A_401, %gather3A_398 : vector<16xi32>
      %gather3A_403 = tpu.vector_load_idx %arg5[%add3A_402] : memref<100000xf32, #tpu.memory_space<vmem>>[vector<16xi32>], vector<16xf32>,
      %add3A_404 = arith.addf %add3A_391, %gather3A_403 : vector<16xf32>
      %mul3A_405 = arith.constant 10 : i32
      %mul3A_406 = arith.muli %scan3A_320, %mul3A_405 : i32
      %add3A_407 = arith.constant 6 : i32
      %add3A_408 = arith.addi %mul3A_406, %add3A_407 : i32
      %add3A_409 = vector.broadcast %add3A_408 : i32 to vector<16xi32>
      %add3A_410 = arith.addi %mul3A_12, %add3A_409 : vector<16xi32>
      %gather3A_411 = tpu.vector_load_idx %arg7[%add3A_410] : memref<17600xi32, #tpu.memory_space<vmem>>[vector<16xi32>], vector<16xi32>,
      %add3A_412 = arith.constant 600 : i32
      %add3A_413 = vector.broadcast %add3A_412 : i32 to vector<16xi32>
      %add3A_414 = arith.addi %mul3A_326, %add3A_413 : vector<16xi32>
      %add3A_415 = arith.addi %add3A_414, %gather3A_411 : vector<16xi32>
      %gather3A_416 = tpu.vector_load_idx %arg5[%add3A_415] : memref<100000xf32, #tpu.memory_space<vmem>>[vector<16xi32>], vector<16xf32>,
      %add3A_417 = arith.addf %add3A_404, %gather3A_416 : vector<16xf32>
      %mul3A_418 = arith.constant 10 : i32
      %mul3A_419 = arith.muli %scan3A_320, %mul3A_418 : i32
      %add3A_420 = arith.constant 7 : i32
      %add3A_421 = arith.addi %mul3A_419, %add3A_420 : i32
      %add3A_422 = vector.broadcast %add3A_421 : i32 to vector<16xi32>
      %add3A_423 = arith.addi %mul3A_12, %add3A_422 : vector<16xi32>
      %gather3A_424 = tpu.vector_load_idx %arg7[%add3A_423] : memref<17600xi32, #tpu.memory_space<vmem>>[vector<16xi32>], vector<16xi32>,
      %add3A_425 = arith.constant 700 : i32
      %add3A_426 = vector.broadcast %add3A_425 : i32 to vector<16xi32>
      %add3A_427 = arith.addi %mul3A_326, %add3A_426 : vector<16xi32>
      %add3A_428 = arith.addi %add3A_427, %gather3A_424 : vector<16xi32>
      %gather3A_429 = tpu.vector_load_idx %arg5[%add3A_428] : memref<100000xf32, #tpu.memory_space<vmem>>[vector<16xi32>], vector<16xf32>,
      %add3A_430 = arith.addf %add3A_417, %gather3A_429 : vector<16xf32>
      %mul3A_431 = arith.constant 10 : i32
      %mul3A_432 = arith.muli %scan3A_320, %mul3A_431 : i32
      %add3A_433 = arith.constant 8 : i32
      %add3A_434 = arith.addi %mul3A_432, %add3A_433 : i32
      %add3A_435 = vector.broadcast %add3A_434 : i32 to vector<16xi32>
      %add3A_436 = arith.addi %mul3A_12, %add3A_435 : vector<16xi32>
      %gather3A_437 = tpu.vector_load_idx %arg7[%add3A_436] : memref<17600xi32, #tpu.memory_space<vmem>>[vector<16xi32>], vector<16xi32>,
      %add3A_438 = arith.constant 800 : i32
      %add3A_439 = vector.broadcast %add3A_438 : i32 to vector<16xi32>
      %add3A_440 = arith.addi %mul3A_326, %add3A_439 : vector<16xi32>
      %add3A_441 = arith.addi %add3A_440, %gather3A_437 : vector<16xi32>
      %gather3A_442 = tpu.vector_load_idx %arg5[%add3A_441] : memref<100000xf32, #tpu.memory_space<vmem>>[vector<16xi32>], vector<16xf32>,
      %add3A_443 = arith.addf %add3A_430, %gather3A_442 : vector<16xf32>
      %mul3A_444 = arith.constant 10 : i32
      %mul3A_445 = arith.muli %scan3A_320, %mul3A_444 : i32
      %add3A_446 = arith.constant 9 : i32
      %add3A_447 = arith.addi %mul3A_445, %add3A_446 : i32
      %add3A_448 = vector.broadcast %add3A_447 : i32 to vector<16xi32>
      %add3A_449 = arith.addi %mul3A_12, %add3A_448 : vector<16xi32>
      %gather3A_450 = tpu.vector_load_idx %arg7[%add3A_449] : memref<17600xi32, #tpu.memory_space<vmem>>[vector<16xi32>], vector<16xi32>,
      %add3A_451 = arith.constant 900 : i32
      %add3A_452 = vector.broadcast %add3A_451 : i32 to vector<16xi32>
      %add3A_453 = arith.addi %mul3A_326, %add3A_452 : vector<16xi32>
      %add3A_454 = arith.addi %add3A_453, %gather3A_450 : vector<16xi32>
      %gather3A_455 = tpu.vector_load_idx %arg5[%add3A_454] : memref<100000xf32, #tpu.memory_space<vmem>>[vector<16xi32>], vector<16xf32>,
      %add3A_456 = arith.addf %add3A_443, %gather3A_455 : vector<16xf32>
      %scan3A_457 = arith.constant 3 : i32
      %scan3A_458 = arith.addi %scan3A_44, %scan3A_457 : i32
      %add3A_459 = vector.broadcast %scan3A_458 : i32 to vector<16xi32>
      %add3A_460 = arith.addi %add3A_15, %add3A_459 : vector<16xi32>
      %gather3A_461 = tpu.vector_load_idx %arg7[%add3A_460] : memref<17600xi32, #tpu.memory_space<vmem>>[vector<16xi32>], vector<16xi32>,
      %mul3A_462 = arith.constant 1000 : i32
      %mul3A_463 = vector.broadcast %mul3A_462 : i32 to vector<16xi32>
      %mul3A_464 = arith.muli %gather3A_461, %mul3A_463 : vector<16xi32>
      %mul3A_465 = arith.constant 10 : i32
      %mul3A_466 = arith.muli %scan3A_458, %mul3A_465 : i32
      %add3A_467 = arith.constant 0 : i32
      %add3A_468 = arith.addi %mul3A_466, %add3A_467 : i32
      %add3A_469 = vector.broadcast %add3A_468 : i32 to vector<16xi32>
      %add3A_470 = arith.addi %mul3A_12, %add3A_469 : vector<16xi32>
      %gather3A_471 = tpu.vector_load_idx %arg7[%add3A_470] : memref<17600xi32, #tpu.memory_space<vmem>>[vector<16xi32>], vector<16xi32>,
      %add3A_472 = arith.constant 0 : i32
      %add3A_473 = vector.broadcast %add3A_472 : i32 to vector<16xi32>
      %add3A_474 = arith.addi %mul3A_464, %add3A_473 : vector<16xi32>
      %add3A_475 = arith.addi %add3A_474, %gather3A_471 : vector<16xi32>
      %gather3A_476 = tpu.vector_load_idx %arg5[%add3A_475] : memref<100000xf32, #tpu.memory_space<vmem>>[vector<16xi32>], vector<16xf32>,
      %add3A_477 = arith.addf %add3A_456, %gather3A_476 : vector<16xf32>
      %mul3A_478 = arith.constant 10 : i32
      %mul3A_479 = arith.muli %scan3A_458, %mul3A_478 : i32
      %add3A_480 = arith.constant 1 : i32
      %add3A_481 = arith.addi %mul3A_479, %add3A_480 : i32
      %add3A_482 = vector.broadcast %add3A_481 : i32 to vector<16xi32>
      %add3A_483 = arith.addi %mul3A_12, %add3A_482 : vector<16xi32>
      %gather3A_484 = tpu.vector_load_idx %arg7[%add3A_483] : memref<17600xi32, #tpu.memory_space<vmem>>[vector<16xi32>], vector<16xi32>,
      %add3A_485 = arith.constant 100 : i32
      %add3A_486 = vector.broadcast %add3A_485 : i32 to vector<16xi32>
      %add3A_487 = arith.addi %mul3A_464, %add3A_486 : vector<16xi32>
      %add3A_488 = arith.addi %add3A_487, %gather3A_484 : vector<16xi32>
      %gather3A_489 = tpu.vector_load_idx %arg5[%add3A_488] : memref<100000xf32, #tpu.memory_space<vmem>>[vector<16xi32>], vector<16xf32>,
      %add3A_490 = arith.addf %add3A_477, %gather3A_489 : vector<16xf32>
      %mul3A_491 = arith.constant 10 : i32
      %mul3A_492 = arith.muli %scan3A_458, %mul3A_491 : i32
      %add3A_493 = arith.constant 2 : i32
      %add3A_494 = arith.addi %mul3A_492, %add3A_493 : i32
      %add3A_495 = vector.broadcast %add3A_494 : i32 to vector<16xi32>
      %add3A_496 = arith.addi %mul3A_12, %add3A_495 : vector<16xi32>
      %gather3A_497 = tpu.vector_load_idx %arg7[%add3A_496] : memref<17600xi32, #tpu.memory_space<vmem>>[vector<16xi32>], vector<16xi32>,
      %add3A_498 = arith.constant 200 : i32
      %add3A_499 = vector.broadcast %add3A_498 : i32 to vector<16xi32>
      %add3A_500 = arith.addi %mul3A_464, %add3A_499 : vector<16xi32>
      %add3A_501 = arith.addi %add3A_500, %gather3A_497 : vector<16xi32>
      %gather3A_502 = tpu.vector_load_idx %arg5[%add3A_501] : memref<100000xf32, #tpu.memory_space<vmem>>[vector<16xi32>], vector<16xf32>,
      %add3A_503 = arith.addf %add3A_490, %gather3A_502 : vector<16xf32>
      %mul3A_504 = arith.constant 10 : i32
      %mul3A_505 = arith.muli %scan3A_458, %mul3A_504 : i32
      %add3A_506 = arith.constant 3 : i32
      %add3A_507 = arith.addi %mul3A_505, %add3A_506 : i32
      %add3A_508 = vector.broadcast %add3A_507 : i32 to vector<16xi32>
      %add3A_509 = arith.addi %mul3A_12, %add3A_508 : vector<16xi32>
      %gather3A_510 = tpu.vector_load_idx %arg7[%add3A_509] : memref<17600xi32, #tpu.memory_space<vmem>>[vector<16xi32>], vector<16xi32>,
      %add3A_511 = arith.constant 300 : i32
      %add3A_512 = vector.broadcast %add3A_511 : i32 to vector<16xi32>
      %add3A_513 = arith.addi %mul3A_464, %add3A_512 : vector<16xi32>
      %add3A_514 = arith.addi %add3A_513, %gather3A_510 : vector<16xi32>
      %gather3A_515 = tpu.vector_load_idx %arg5[%add3A_514] : memref<100000xf32, #tpu.memory_space<vmem>>[vector<16xi32>], vector<16xf32>,
      %add3A_516 = arith.addf %add3A_503, %gather3A_515 : vector<16xf32>
      %mul3A_517 = arith.constant 10 : i32
      %mul3A_518 = arith.muli %scan3A_458, %mul3A_517 : i32
      %add3A_519 = arith.constant 4 : i32
      %add3A_520 = arith.addi %mul3A_518, %add3A_519 : i32
      %add3A_521 = vector.broadcast %add3A_520 : i32 to vector<16xi32>
      %add3A_522 = arith.addi %mul3A_12, %add3A_521 : vector<16xi32>
      %gather3A_523 = tpu.vector_load_idx %arg7[%add3A_522] : memref<17600xi32, #tpu.memory_space<vmem>>[vector<16xi32>], vector<16xi32>,
      %add3A_524 = arith.constant 400 : i32
      %add3A_525 = vector.broadcast %add3A_524 : i32 to vector<16xi32>
      %add3A_526 = arith.addi %mul3A_464, %add3A_525 : vector<16xi32>
      %add3A_527 = arith.addi %add3A_526, %gather3A_523 : vector<16xi32>
      %gather3A_528 = tpu.vector_load_idx %arg5[%add3A_527] : memref<100000xf32, #tpu.memory_space<vmem>>[vector<16xi32>], vector<16xf32>,
      %add3A_529 = arith.addf %add3A_516, %gather3A_528 : vector<16xf32>
      %mul3A_530 = arith.constant 10 : i32
      %mul3A_531 = arith.muli %scan3A_458, %mul3A_530 : i32
      %add3A_532 = arith.constant 5 : i32
      %add3A_533 = arith.addi %mul3A_531, %add3A_532 : i32
      %add3A_534 = vector.broadcast %add3A_533 : i32 to vector<16xi32>
      %add3A_535 = arith.addi %mul3A_12, %add3A_534 : vector<16xi32>
      %gather3A_536 = tpu.vector_load_idx %arg7[%add3A_535] : memref<17600xi32, #tpu.memory_space<vmem>>[vector<16xi32>], vector<16xi32>,
      %add3A_537 = arith.constant 500 : i32
      %add3A_538 = vector.broadcast %add3A_537 : i32 to vector<16xi32>
      %add3A_539 = arith.addi %mul3A_464, %add3A_538 : vector<16xi32>
      %add3A_540 = arith.addi %add3A_539, %gather3A_536 : vector<16xi32>
      %gather3A_541 = tpu.vector_load_idx %arg5[%add3A_540] : memref<100000xf32, #tpu.memory_space<vmem>>[vector<16xi32>], vector<16xf32>,
      %add3A_542 = arith.addf %add3A_529, %gather3A_541 : vector<16xf32>
      %mul3A_543 = arith.constant 10 : i32
      %mul3A_544 = arith.muli %scan3A_458, %mul3A_543 : i32
      %add3A_545 = arith.constant 6 : i32
      %add3A_546 = arith.addi %mul3A_544, %add3A_545 : i32
      %add3A_547 = vector.broadcast %add3A_546 : i32 to vector<16xi32>
      %add3A_548 = arith.addi %mul3A_12, %add3A_547 : vector<16xi32>
      %gather3A_549 = tpu.vector_load_idx %arg7[%add3A_548] : memref<17600xi32, #tpu.memory_space<vmem>>[vector<16xi32>], vector<16xi32>,
      %add3A_550 = arith.constant 600 : i32
      %add3A_551 = vector.broadcast %add3A_550 : i32 to vector<16xi32>
      %add3A_552 = arith.addi %mul3A_464, %add3A_551 : vector<16xi32>
      %add3A_553 = arith.addi %add3A_552, %gather3A_549 : vector<16xi32>
      %gather3A_554 = tpu.vector_load_idx %arg5[%add3A_553] : memref<100000xf32, #tpu.memory_space<vmem>>[vector<16xi32>], vector<16xf32>,
      %add3A_555 = arith.addf %add3A_542, %gather3A_554 : vector<16xf32>
      %mul3A_556 = arith.constant 10 : i32
      %mul3A_557 = arith.muli %scan3A_458, %mul3A_556 : i32
      %add3A_558 = arith.constant 7 : i32
      %add3A_559 = arith.addi %mul3A_557, %add3A_558 : i32
      %add3A_560 = vector.broadcast %add3A_559 : i32 to vector<16xi32>
      %add3A_561 = arith.addi %mul3A_12, %add3A_560 : vector<16xi32>
      %gather3A_562 = tpu.vector_load_idx %arg7[%add3A_561] : memref<17600xi32, #tpu.memory_space<vmem>>[vector<16xi32>], vector<16xi32>,
      %add3A_563 = arith.constant 700 : i32
      %add3A_564 = vector.broadcast %add3A_563 : i32 to vector<16xi32>
      %add3A_565 = arith.addi %mul3A_464, %add3A_564 : vector<16xi32>
      %add3A_566 = arith.addi %add3A_565, %gather3A_562 : vector<16xi32>
      %gather3A_567 = tpu.vector_load_idx %arg5[%add3A_566] : memref<100000xf32, #tpu.memory_space<vmem>>[vector<16xi32>], vector<16xf32>,
      %add3A_568 = arith.addf %add3A_555, %gather3A_567 : vector<16xf32>
      %mul3A_569 = arith.constant 10 : i32
      %mul3A_570 = arith.muli %scan3A_458, %mul3A_569 : i32
      %add3A_571 = arith.constant 8 : i32
      %add3A_572 = arith.addi %mul3A_570, %add3A_571 : i32
      %add3A_573 = vector.broadcast %add3A_572 : i32 to vector<16xi32>
      %add3A_574 = arith.addi %mul3A_12, %add3A_573 : vector<16xi32>
      %gather3A_575 = tpu.vector_load_idx %arg7[%add3A_574] : memref<17600xi32, #tpu.memory_space<vmem>>[vector<16xi32>], vector<16xi32>,
      %add3A_576 = arith.constant 800 : i32
      %add3A_577 = vector.broadcast %add3A_576 : i32 to vector<16xi32>
      %add3A_578 = arith.addi %mul3A_464, %add3A_577 : vector<16xi32>
      %add3A_579 = arith.addi %add3A_578, %gather3A_575 : vector<16xi32>
      %gather3A_580 = tpu.vector_load_idx %arg5[%add3A_579] : memref<100000xf32, #tpu.memory_space<vmem>>[vector<16xi32>], vector<16xf32>,
      %add3A_581 = arith.addf %add3A_568, %gather3A_580 : vector<16xf32>
      %mul3A_582 = arith.constant 10 : i32
      %mul3A_583 = arith.muli %scan3A_458, %mul3A_582 : i32
      %add3A_584 = arith.constant 9 : i32
      %add3A_585 = arith.addi %mul3A_583, %add3A_584 : i32
      %add3A_586 = vector.broadcast %add3A_585 : i32 to vector<16xi32>
      %add3A_587 = arith.addi %mul3A_12, %add3A_586 : vector<16xi32>
      %gather3A_588 = tpu.vector_load_idx %arg7[%add3A_587] : memref<17600xi32, #tpu.memory_space<vmem>>[vector<16xi32>], vector<16xi32>,
      %add3A_589 = arith.constant 900 : i32
      %add3A_590 = vector.broadcast %add3A_589 : i32 to vector<16xi32>
      %add3A_591 = arith.addi %mul3A_464, %add3A_590 : vector<16xi32>
      %add3A_592 = arith.addi %add3A_591, %gather3A_588 : vector<16xi32>
      %gather3A_593 = tpu.vector_load_idx %arg5[%add3A_592] : memref<100000xf32, #tpu.memory_space<vmem>>[vector<16xi32>], vector<16xf32>,
      %add3A_594 = arith.addf %add3A_581, %gather3A_593 : vector<16xf32>
      scf.yield %add3A_594 : vector<16xf32>
    }
    %scan3A_39 = arith.constant 100 : i32
    %swap3A_40 = arith.constant 16 : index
    %swap3A_41 = tpu.vector_load %arg8[%swap3A_40] {strides = array<i32>} : memref<32xf32, #tpu.memory_space<vmem>>, vector<16xf32>,
    tpu.vector_store %arg8[%swap3A_40], %scan3A_38 {strides = array<i32>} : memref<32xf32, #tpu.memory_space<vmem>>, vector<16xf32>,
    %mul3A_42 = arith.constant 32 : i32
    %mul3A_43 = arith.muli %add3A, %mul3A_42 : i32
    "tpu.region"() ({
      %run_scoped3A = tpu.sem_alloc : memref<!tpu.dma_semaphore, #tpu.memory_space<semaphore_mem>>
      %dma_start3A_44 = tpu.memref_slice %arg4[%mul3A_43] : memref<1024xf32, #tpu.memory_space<hbm>> -> memref<32xf32, #tpu.memory_space<hbm>>
      %dma_start3A_45 = tpu.memref_slice %arg4[%mul3A_43] : memref<1024xf32, #tpu.memory_space<hbm>> -> memref<32xf32, #tpu.memory_space<hbm>>
      tpu.enqueue_dma source(%arg8 : memref<32xf32, #tpu.memory_space<vmem>>) target(%dma_start3A_45 : memref<32xf32, #tpu.memory_space<hbm>>) target_semaphore(%run_scoped3A : memref<!tpu.dma_semaphore, #tpu.memory_space<semaphore_mem>>)
      %dma_wait3A_46 = tpu.memref_slice %arg4[%mul3A_43] : memref<1024xf32, #tpu.memory_space<hbm>> -> memref<32xf32, #tpu.memory_space<hbm>>
      %dma_wait3A_47 = tpu.memref_slice %arg4[%mul3A_43] : memref<1024xf32, #tpu.memory_space<hbm>> -> memref<32xf32, #tpu.memory_space<hbm>>
      tpu.wait_dma2 semaphore(%run_scoped3A : memref<!tpu.dma_semaphore, #tpu.memory_space<semaphore_mem>>) src(%arg8 : memref<32xf32, #tpu.memory_space<vmem>>) dst(%dma_wait3A_47 : memref<32xf32, #tpu.memory_space<hbm>>)
      tpu.yield
    }) : () -> ()
    return
  }
}

module attributes {stable_mosaic.version = 14 : i64} {
  func.func @_p2_body(%arg0: memref<1000x100xf32, #tpu.memory_space<vmem>>, %arg1: memref<100x100xf32, #tpu.memory_space<vmem>>, %arg2: memref<1000x100xf32, #tpu.memory_space<vmem>>) attributes {dimension_semantics = [], scalar_prefetch = 0 : i64, scratch_operands = 0 : i64, tpu.core_type = #tpu.core_type<tc>} {
    %get3A = arith.constant 0 : index
    %get3A_0 = arith.constant 0 : index
    %get3A_1 = vector.load %arg0[%get3A, %get3A_0] : memref<1000x100xf32, #tpu.memory_space<vmem>>, vector<1000x100xf32>
    %get3A_2 = arith.constant 0 : index
    %get3A_3 = arith.constant 0 : index
    %get3A_4 = vector.load %arg1[%get3A_2, %get3A_3] : memref<100x100xf32, #tpu.memory_space<vmem>>, vector<100x100xf32>
    %dot_general3A = arith.constant dense<0.000000e+00> : vector<1000x100xf32>
    %dot_general3A_5 = tpu.matmul %get3A_1, %get3A_4, %dot_general3A {dimension_numbers = #tpu.dot_dimension_numbers<[1], [1], [0], [0], [0, 0, 1, 0], [], []>, transpose_lhs_hint = false} : vector<1000x100xf32>, vector<100x100xf32>, vector<1000x100xf32> -> vector<1000x100xf32>
    %swap3A = arith.constant 0 : index
    %swap3A_6 = arith.constant 0 : index
    %swap3A_7 = vector.load %arg2[%swap3A, %swap3A_6] : memref<1000x100xf32, #tpu.memory_space<vmem>>, vector<1000x100xf32>
    tpu.vector_store %arg2[%swap3A, %swap3A_6], %dot_general3A_5 {strides = array<i32>} : memref<1000x100xf32, #tpu.memory_space<vmem>>, vector<1000x100xf32>,
    return
  }
}

module attributes {stable_mosaic.version = 14 : i64} {
  func.func @_mlp_body(%arg0: memref<1024x1xf32, #tpu.memory_space<vmem>>, %arg1: memref<1x100xf32, #tpu.memory_space<vmem>>, %arg2: memref<1x100xf32, #tpu.memory_space<vmem>>, %arg3: memref<100x100xf32, #tpu.memory_space<vmem>>, %arg4: memref<1x100xf32, #tpu.memory_space<vmem>>, %arg5: memref<100x1xf32, #tpu.memory_space<vmem>>, %arg6: memref<1x1xf32, #tpu.memory_space<vmem>>, %arg7: memref<1024x1xf32, #tpu.memory_space<vmem>>) attributes {dimension_semantics = [], scalar_prefetch = 0 : i64, scratch_operands = 0 : i64, tpu.core_type = #tpu.core_type<tc>} {
    %get3A = arith.constant 0 : index
    %get3A_0 = arith.constant 0 : index
    %get3A_1 = vector.load %arg0[%get3A, %get3A_0] : memref<1024x1xf32, #tpu.memory_space<vmem>>, vector<1024x1xf32>
    %get3A_2 = arith.constant 0 : index
    %get3A_3 = arith.constant 0 : index
    %get3A_4 = vector.load %arg1[%get3A_2, %get3A_3] : memref<1x100xf32, #tpu.memory_space<vmem>>, vector<1x100xf32>
    %mul3A = vector.broadcast %get3A_1 : vector<1024x1xf32> to vector<1024x100xf32>
    %mul3A_5 = vector.broadcast %get3A_4 : vector<1x100xf32> to vector<1024x100xf32>
    %mul3A_6 = arith.mulf %mul3A, %mul3A_5 : vector<1024x100xf32>
    %get3A_7 = arith.constant 0 : index
    %get3A_8 = arith.constant 0 : index
    %get3A_9 = vector.load %arg2[%get3A_7, %get3A_8] : memref<1x100xf32, #tpu.memory_space<vmem>>, vector<1x100xf32>
    %add3A = vector.broadcast %get3A_9 : vector<1x100xf32> to vector<1024x100xf32>
    %add3A_10 = arith.addf %mul3A_6, %add3A : vector<1024x100xf32>
    %max3A = arith.constant 0.000000e+00 : f32
    %max3A_11 = vector.broadcast %max3A : f32 to vector<1024x100xf32>
    %max3A_12 = arith.maximumf %add3A_10, %max3A_11 : vector<1024x100xf32>
    %get3A_13 = arith.constant 0 : index
    %get3A_14 = arith.constant 0 : index
    %get3A_15 = vector.load %arg3[%get3A_13, %get3A_14] : memref<100x100xf32, #tpu.memory_space<vmem>>, vector<100x100xf32>
    %dot_general3A = arith.constant dense<0.000000e+00> : vector<1024x100xf32>
    %dot_general3A_16 = tpu.matmul %max3A_12, %get3A_15, %dot_general3A {dimension_numbers = #tpu.dot_dimension_numbers<[1], [0], [0], [1], [0, 0, 1, 1], [], []>, transpose_lhs_hint = false} : vector<1024x100xf32>, vector<100x100xf32>, vector<1024x100xf32> -> vector<1024x100xf32>
    %get3A_17 = arith.constant 0 : index
    %get3A_18 = arith.constant 0 : index
    %get3A_19 = vector.load %arg4[%get3A_17, %get3A_18] : memref<1x100xf32, #tpu.memory_space<vmem>>, vector<1x100xf32>
    %add3A_20 = vector.broadcast %get3A_19 : vector<1x100xf32> to vector<1024x100xf32>
    %add3A_21 = arith.addf %dot_general3A_16, %add3A_20 : vector<1024x100xf32>
    %max3A_22 = arith.constant 0.000000e+00 : f32
    %max3A_23 = vector.broadcast %max3A_22 : f32 to vector<1024x100xf32>
    %max3A_24 = arith.maximumf %add3A_21, %max3A_23 : vector<1024x100xf32>
    %get3A_25 = arith.constant 0 : index
    %get3A_26 = arith.constant 0 : index
    %get3A_27 = vector.load %arg5[%get3A_25, %get3A_26] : memref<100x1xf32, #tpu.memory_space<vmem>>, vector<100x1xf32>
    %dot_general3A_28 = arith.constant dense<0.000000e+00> : vector<1024x1xf32>
    %dot_general3A_29 = tpu.matmul %max3A_24, %get3A_27, %dot_general3A_28 {dimension_numbers = #tpu.dot_dimension_numbers<[1], [0], [0], [1], [0, 0, 1, 1], [], []>, transpose_lhs_hint = false} : vector<1024x100xf32>, vector<100x1xf32>, vector<1024x1xf32> -> vector<1024x1xf32>
    %get3A_30 = arith.constant 0 : index
    %get3A_31 = arith.constant 0 : index
    %get3A_32 = vector.load %arg6[%get3A_30, %get3A_31] : memref<1x1xf32, #tpu.memory_space<vmem>>, vector<1x1xf32>
    %add3A_33 = vector.broadcast %get3A_32 : vector<1x1xf32> to vector<1024x1xf32>
    %add3A_34 = arith.addf %dot_general3A_29, %add3A_33 : vector<1024x1xf32>
    %tanh3A = math.tanh %add3A_34 : vector<1024x1xf32>
    %swap3A = arith.constant 0 : index
    %swap3A_35 = arith.constant 0 : index
    %swap3A_36 = vector.load %arg7[%swap3A, %swap3A_35] : memref<1024x1xf32, #tpu.memory_space<vmem>>, vector<1024x1xf32>
    tpu.vector_store %arg7[%swap3A, %swap3A_35], %tanh3A {strides = array<i32>} : memref<1024x1xf32, #tpu.memory_space<vmem>>, vector<1024x1xf32>,
    return
  }
}

</mosaic_0001>

<sc_bundles>
// kernel: kernel.5.cloned.1.call-start
scs
__scs_entry_jumppad:
0x0: {  	(pc) =	sbr.rel $0x88, $3  }
0x1: {  	(tag) =	ssettag $0x0;
	lr =	simm.s32 $0x1  }
0x2: {  	[smem:$0x3F98] =	sst lr;
	_ =	strace $0xD0000000  }
0x3: {  	_ = 	snop  }
0x4: {  	_ = 	snop  }
0x5: {  	_ = 	snop  }
0x6: {  	_ = 	snop  }
0x7: {  	_ = 	snop  }
__scs_overlays_trampoline_lowered:
0x8: {  	[smem:$0x3FA7] =	sst s0  }
0x9: {  	[smem:$0x3FA8] =	sst s1  }
0xa: {  	[smem:$0x3FA9] =	sst s2  }
0xb: {  	[smem:$0x3FAA] =	sst s3  }
0xc: {  	[smem:$0x3FAB] =	sst s4  }
0xd: {  	[smem:$0x3FAC] =	sst s5  }
0xe: {  	[smem:$0x3FAD] =	sst s6  }
0xf: {  	[smem:$0x3FAE] =	sst s7  }
0x10: {  	[smem:$0x3FAF] =	sst s8  }
0x11: {  	[smem:$0x3FB0] =	sst s9;
	s0 =	simm.s32 @!p0 $0x0  }
0x12: {  	s1 =	sld [smem:$0x3F96];
	s0 =	simm.s32 @p0 $0x1  }
0x13: {  	[smem:$0x3FB1] =	sst s0;
	s0 =	simm.s32 @!p1 $0x0  }
0x14: {  	s2 =	sld [smem:$0x3F95];
	s0 =	simm.s32 @p1 $0x1  }
0x15: {  	[smem:$0x3FB2] =	sst s0;
	s0 =	simm.s32 @!p2 $0x0  }
0x16: {  	s3 =	sld [smem:$0x3FDB];
	s0 =	simm.s32 @p2 $0x1  }
0x17: {  	s4 =	simm.s32 $0x1BF5;
	[smem:$0x3FB4] =	sst s0  }
0x18: {  	s0 =	sld [smem:$0x3F97];
	_ =	swait.ge [sflag:s4], $0x0  }
0x19: {  	s7 =	sld [smem:$0x3F98]  }
0x1a: {  	s8 =	sadd.s32 $0xFFFFE003, lr  }
0x1b: {  	s9 =	sadd.s32 $0xFFFFFEF7, lr;
	s5 =	simm.s32 $0xFFFFFFFF;
	p2 =	slt.u32 s8, $0xFFFFF086  }
0x1c: {  	p1 =	slt.u32 s9, $0xF7A;
	s5 =	simm.s32 @!p2 $0x0  }
0x1d: {  	s5 =	simm.s32 @p1 $0x1;
	p0 =	seq.s32 s7, s2  }
0x1e: {  	s7 =	smul.u32 @!p0 $0xF7A, s2;
	p2 =	seq.s32 @!p0 s5, $0x0  }
0x1f: {  	s9 =	smul.u32 $0xF7A, s1;
	s8 =	simm.s32 @!p0 $0x1BF5;
	p2 =	por !p2, p0  }
0x20: {  	[sflag:s8] =	ssyncset.s32 @!p0 $0xFFFFF086;
	s6 =	sadd.s32 @!p0 s3, s7;
	s7 =	simm.s32 @!p0 $0x108  }
0x21: {  	s3 =	sadd.s32 s3, s9;
	s6 =	sadd.s32 @!p0 $0x88, s6;
	s7 =	simm.s32 @p2 $0x1082  }
0x22: {  	[simem:s7], [sflag:s8] =	dma.local @!p0 [hbm:s6], $0xF7A  }
0x23: {  	s9 =	sor.u32 $0xD0000000, s2;
	s6 =	simm.s32 $0x108;
	_ =	swait.ge @!p0 [sflag:s8], $0x0  }
0x24: {  	s3 =	sadd.s32 $0x88, s3;
	s6 =	simm.s32 @!p1 $0x1082;
	[sflag:s4] =	ssyncset.s32 $0xFFFFF086  }
0x25: {  	[simem:s6], [sflag:s4] =	dma.local [hbm:s3], $0xF7A  }
0x26: {  	[smem:$0x3F98] =	sst s1;
	(tag) =	ssettag s2;
	_ =	strace s9  }
0x27: {  	s1 =	sld [smem:$0x3FA8]  }
0x28: {  	s2 =	sld [smem:$0x3FA9]  }
0x29: {  	s4 =	sld [smem:$0x3FAB]  }
0x2a: {  	p0 =	seq.s32 s5, $0x0;
	s5 =	sld [smem:$0x3FAC]  }
0x2b: {  	s6 =	sld [smem:$0x3FAD]  }
0x2c: {  	s7 =	sld [smem:$0x3FAE]  }
0x2d: {  	s3 =	simm.s32 $0x108;
	s8 =	sld [smem:$0x3FAF]  }
0x2e: {  	s3 =	simm.s32 @!p0 $0x1082;
	s9 =	sld [smem:$0x3FB0]  }
0x2f: {  	lr =	sadd.s32 s0, s3;
	s0 =	sld [smem:$0x3FA7]  }
0x30: {  	s3 =	sld [smem:$0x3FAA]  }
0x31: {  	[smem:$0x3FB3] =	sst s10  }
0x32: {  	s10 =	sld [smem:$0x3FB1];
	_ =	sdelay $0x3  }
0x33: {  	p0 =	seq.s32 s10, $0x1;
	s10 =	sld [smem:$0x3FB3];
	_ =	sdelay $0x3  }
0x34: {  	[smem:$0x3FB3] =	sst s10  }
0x35: {  	s10 =	sld [smem:$0x3FB2];
	_ =	sdelay $0x3  }
0x36: {  	p1 =	seq.s32 s10, $0x1;
	s10 =	sld [smem:$0x3FB3];
	_ =	sdelay $0x3  }
0x37: {  	[smem:$0x3FB3] =	sst s10  }
0x38: {  	s10 =	sld [smem:$0x3FB4]  }
0x39: {  	_ = 	snop;
	(pc) =	sbr.ind lr, $3  }
0x3a: {  	_ = 	snop  }
0x3b: {  	_ = 	snop  }
0x3c: {  	p2 =	seq.s32 s10, $0x1;
	s10 =	sld [smem:$0x3FB3]  }
0x3d: {  	_ =	shalt  }
0x3e: {  	_ =	shalt  }
0x3f: {  	_ =	shalt  }
0x40: {  	_ =	shalt  }
0x41: {  	_ =	shalt  }
0x42: {  	_ =	shalt  }
0x43: {  	_ =	shalt  }
0x44: {  	_ =	shalt  }
0x45: {  	_ =	shalt  }
0x46: {  	_ =	shalt  }
0x47: {  	_ =	shalt  }
0x48: {  	_ =	shalt  }
0x49: {  	_ =	shalt  }
0x4a: {  	_ =	shalt  }
0x4b: {  	_ =	shalt  }
0x4c: {  	_ =	shalt  }
0x4d: {  	_ =	shalt  }
0x4e: {  	_ =	shalt  }
0x4f: {  	_ =	shalt  }
0x50: {  	_ =	shalt  }
0x51: {  	_ =	shalt  }
0x52: {  	_ =	shalt  }
0x53: {  	_ =	shalt  }
0x54: {  	_ =	shalt  }
0x55: {  	_ =	shalt  }
0x56: {  	_ =	shalt  }
0x57: {  	_ =	shalt  }
0x58: {  	_ =	shalt  }
0x59: {  	_ =	shalt  }
0x5a: {  	_ =	shalt  }
0x5b: {  	_ =	shalt  }
0x5c: {  	_ =	shalt  }
0x5d: {  	_ =	shalt  }
0x5e: {  	_ =	shalt  }
0x5f: {  	_ =	shalt  }
0x60: {  	_ =	shalt  }
0x61: {  	_ =	shalt  }
0x62: {  	_ =	shalt  }
0x63: {  	_ =	shalt  }
0x64: {  	_ =	shalt  }
0x65: {  	_ =	shalt  }
0x66: {  	_ =	shalt  }
0x67: {  	_ =	shalt  }
0x68: {  	_ =	shalt  }
0x69: {  	_ =	shalt  }
0x6a: {  	_ =	shalt  }
0x6b: {  	_ =	shalt  }
0x6c: {  	_ =	shalt  }
0x6d: {  	_ =	shalt  }
0x6e: {  	_ =	shalt  }
0x6f: {  	_ =	shalt  }
0x70: {  	_ =	shalt  }
0x71: {  	_ =	shalt  }
0x72: {  	_ =	shalt  }
0x73: {  	_ =	shalt  }
0x74: {  	_ =	shalt  }
0x75: {  	_ =	shalt  }
0x76: {  	_ =	shalt  }
0x77: {  	_ =	shalt  }
0x78: {  	_ =	shalt  }
0x79: {  	_ =	shalt  }
0x7a: {  	_ =	shalt  }
0x7b: {  	_ =	shalt  }
0x7c: {  	_ =	shalt  }
0x7d: {  	_ =	shalt  }
0x7e: {  	_ =	shalt  }
0x7f: {  	_ =	shalt  }
0x80: {  	_ =	shalt  }
0x81: {  	_ =	shalt  }
0x82: {  	_ =	shalt  }
0x83: {  	_ =	shalt  }
0x84: {  	_ =	shalt  }
0x85: {  	_ =	shalt  }
0x86: {  	_ =	shalt  }
0x87: {  	_ =	shalt  }
.Lfunc_end0:
.L_simem_size_0:
called_computation_lowered:
.L_overlay_start_0:
0x88: {  	s2 =	sld [smem:$0x3FD9]  }
0x89: {  	s3 =	sld [smem:$0x3FFE];
	_ =	sdelay $0x1  }
0x8a: {  	s1 =	srdreg.scid  }
0x8b: {  	s0 =	sand.u32 $0x1, s1  }
0x8c: {  	s17 =	sshll.u32 s0, $0xA;
	s2 =	sadd.s32 s3, s2  }
0x8d: {  	s2 =	sadd.s32 s2, s17  }
0x8e: {  	[smem:$0x3FBF] =	sst s2  }
0x8f: {  	_ = 	snop  }
0x90: {  	s2 =	sld [smem:$0x3FD0];
	(tm) =	ssettm $0x1  }
0x91: {  	s18 =	sld [smem:$0x3FFB];
	_ =	sdelay $0x3  }
0x92: {  	_ =	strace s18  }
0x93: {  	s3 =	sld [smem:$0x3FFC];
	_ =	sdelay $0x3  }
0x94: {  	_ =	strace s3  }
0x95: {  	s3 =	sld [smem:$0x3FFD];
	_ =	sdelay $0x3  }
0x96: {  	_ =	strace s3  }
0x97: {  	_ =	strace $0x8FFFFFFF  }
0x98: {  	s19 =	sld [smem:$0x3FDB];
	_ =	sdelay $0x1  }
0x99: {  	s4 =	simm.s32 $_scs_section_size  }
0x9a: {  	s5 =	simm.s32 $_size__tile_overlayer_lowered;
	s6 =	simm.s32 $_tile_overlayer_lowered  }
0x9b: {  	s22 =	simm.s32 $0x1BFF;
	s21 =	sshll.u32 s6, $0x1;
	s3 =	sadd.s32 s4, s19  }
0x9c: {  	s7 =	simm.s32 $0x0;
	s20 =	sshll.u32 s5, $0x1;
	s5 =	sadd.s32 s21, s3  }
0x9d: {  	[timem:s7], [sflag:s22] =	dma.local [hbm:s5], s20  }
0x9e: {  	_ =	swait.ge [sflag:s22], s20  }
0x9f: {  	s4 =	ssub.s32 $0x0, s20;
	[sflag:s22] =	ssyncset.done $0x0  }
0xa0: {  	[sflag:s22] =	ssyncadd.s32 s4;
	_ =	sdelay $0x1  }
0xa1: {  	s23 =	simm.s32 $0x1B8B  }
0xa2: {  	_ =	swait.ge [sflag:s23], $0x1  }
0xa3: {  	[sflag:s23] =	ssyncset.done $0x0  }
0xa4: {  	s25 =	simm.s32 $0x1B8E;
	s24 =	sld [smem:$0x3FFE];
	[sflag:s23] =	ssyncadd.s32 $0xFFFFFFFF  }
0xa5: {  	s26 =	simm.s32 $execute0_lowered;
	[smem:$0x3FD2] =	sst s25  }
0xa6: {  	s5 =	sshll.u32 s26, $0x1;
	_ =	strace $0x80000046;
	[dreg:$0x1] =	wrdreg $0xFFFFFFFF  }
0xa7: {  	s28 =	simm.s32 $_size_execute0_lowered;
	s3 =	sadd.s32 s3, s5;
	[dreg:$0x0] =	wrdreg $0x0  }
0xa8: {  	s5 =	sshll.u32 s28, $0x1;
	[dreg:$0x2] =	wrdreg s3  }
0xa9: {  	[dreg:$0x3] =	wrdreg s5  }
0xaa: {  	[dreg:$0x4] =	wrdreg $0xC0  }
0xab: {  	_ =	task [dreg:s7], $0x5FFFF  }
0xac: {  	[dreg:$0x1] =	wrdreg $0xFFFFFFFF  }
0xad: {  	[dreg:$0x0] =	wrdreg $0x60  }
0xae: {  	[dreg:$0x2] =	wrdreg s24  }
0xaf: {  	[dreg:$0x3] =	wrdreg s2  }
0xb0: {  	[dreg:$0x4] =	wrdreg $0x187000  }
0xb1: {  	[dreg:$0x5] =	wrdreg $0x9  }
0xb2: {  	_ =	task.clear_ibuf [dreg:s7], $0x6FFFF;
	_ =	strace $0x90000046  }
0xb3: {  	s29 =	simm.s32 $0x9;
	_ =	strace $0x80000048  }
0xb4: {  	_ =	swait.ge [sflag:s29], $0x1  }
0xb5: {  	[sflag:s29] =	ssyncadd.s32 $0xFFFFFFFF  }
0xb6: {  	_ =	strace $0x90000048  }
0xb7: {  	_ =	sfence  }
0xb8: {  	s30 =	sld [smem:$0x0];
	_ =	sdelay $0x2  }
0xb9: {  	s31 =	sshll.u32 s1, $0xD;
	s1 =	sshrl.u32 s1, $0x2  }
0xba: {  	s3 =	sand.u32 $0x4000, s31;
	s1 =	sadd.s32 s1, s30  }
0xbb: {  	s0 =	sor.u32 s3, s0;
	s1 =	sshll.u32 s1, $0x11  }
0xbc: {  	s0 =	sor.u32 s1, s0  }
0xbd: {  	s0 =	sadd.s32 $0x8F2B, s0  }
0xbe: {  	[sflag:s0] =	ssyncadd.remote.s32 $0x1  }
0xbf: {  	_ =	sfence.sel $0xFFFF  }
0xc0: {  	[dreg:$0x0] =	wrdreg $0xFFFFFFFF;
	(pc) =	sbr.abs _section_cstart, $3  }
0xc1: {  	[dreg:$0x1] =	wrdreg $0xFFFFFFFF  }
0xc2: {  	_ =	task.clear_ibuf [dreg:s7], $0x2FFFF;
	_ =	strace $0x9FFFFFFF  }
0xc3: {  	(tm) =	ssettm $0x7FFFFFFF  }
tec
execute0_lowered:
.L_overlay_start_1:
0x0: {  	(tag) =	ssettag $0x1  }
0x1: {  	s3 =	rddreg [dreg:$0x0]  }
0x2: {  	s6 =	rddreg [dreg:$0x1];
	s0 =	srdreg.scid  }
0x3: {  	s8 =	stileid.u32;
	s1 =	rddreg [dreg:$0x2];
	s2 =	simm.s32 $0x0  }
0x4: {  	s12 =	simm.s32 $0x1E470;
	s4 =	sand.u32 $0x1, s0;
	s0 =	rddreg [dreg:$0x3]  }
0x5: {  	s13 =	simm.s32 $0x0;
	s5 =	sshll.u32 s8, $0x1;
	[smem:$0x7FF] =	sst s2  }
0x6: {  	s9 =	sadd.s32 $0x1400, s3;
	s3 =	sadd.s32 $0x23A00, s3;
	s7 =	sor.u32 s4, s5  }
0x7: {  	p0 =	sne.s32 s8, $0x0;
	s4 =	ssub.s32 $0x2, s4;
	s5 =	smul.u32 $0x8980, s7  }
0x8: {  	s8 =	simm.s32 $0x19F70;
	s10 =	sshrl.u32 s4, $0x1;
	s11 =	smul.u32 $0x1130, s7  }
0x9: {  	v0 =	vlaneseq.u32;
	_ =	strace $0x80000047;
	s7 =	sshll.u32 s7, $0x2;
	s10 =	ssub.s32 s4, s10  }
0xa: {  	v0 =	vmul.u32 $0x44C, v0;
	s6 =	sadd.s32 s6, s7;
	s5 =	sshrl.u32 s5, $0x3;
	s4 =	sadd.s32 s9, s11  }
0xb: {  	s7 =	smax.u32 s10, $0x1;
	s10 =	simm.s32 $0x2;
	s5 =	sadd.s32 s9, s5  }
0xc: {  	v1 =	vadd.s32 $0x3E8, v0;
	s11 =	simm.s32 $0x1;
	s9 =	sshrl.u32 @!p0 s1, $0x3;
	s5 =	sadd.s32 $0x898, s5  }
.LBB2_1:
0xd: {  	[tilespmem:s8], [sflag:$0x1] =	stream.linear.gather [hbm4b:s4+s2], $0x44C0, $0x38;
	[tilespmem:$0x1E4F0] =	vst v63  }
0xe: {  	s14 =	simm.s32 @!p0 $0x1C02  }
0xf: {  	[spmem:s9], [sflag:s14] =	dma.local @!p0 [hbm:s3], $0x30E0  }
0x10: {  	s14 =	simm.s32 @!p0 $0x2  }
0x11: {  	_ =	swait.ge @!p0 [sflag:s14], $0x30E0  }
0x12: {  	[sflag:s14] =	ssyncset.done @!p0 $0x0  }
0x13: {  	[sflag:s14] =	ssyncadd.s32 @!p0 $0xFFFFCF20  }
0x14: {  	[bflag:$0x0] =	sbarrier.arrive $0xFFFF  }
0x15: {  	[tilespmem:s2], [sflag:$0x2] =	stream.linear.gather [spmem:s1], $0x18700, $0x38;
	[tilespmem:$0x1E4F0] =	vst v63  }
0x16: {  	_ =	swait.ge [sflag:s10], $0x18700  }
0x17: {  	v2 =	vadd.s32 s2, v1;
	s20 =	simm.s32 $0x0;
	[sflag:s10] =	ssyncset.done $0x0  }
0x18: {  	s15 =	simm.s32 $0x1;
	v3 =	vadd.s32 s20, v0;
	[sflag:s10] =	ssyncadd.s32 $0xFFFE7900  }
0x19: {  	s21 =	simm.s32 $0x3;
	v4 =	vadd.s32 s15, v0;
	_ =	swait.ge [sflag:s11], $0x44C0  }
0x1a: {  	s22 =	simm.s32 $0x2;
	v5 =	vadd.s32 s21, v1;
	[sflag:s11] =	ssyncset.done $0x0  }
0x1b: {  	s23 =	simm.s32 $0x3;
	v7 =	vadd.s32 s22, v0;
	[sflag:s11] =	ssyncadd.s32 $0xFFFFBB40  }
0x1c: {  	s24 =	simm.s32 $0x2;
	v8 =	vadd.s32 s23, v0;
	v6 =	vld.idx.msk [tilespmem:v2+s8+$0x0], $0xffff  }
0x1d: {  	s25 =	simm.s32 $0x4;
	v9 =	vadd.s32 s24, v1;
	v3 =	vld.idx.msk [tilespmem:v3+s8+$0x0], $0xffff  }
0x1e: {  	s28 =	simm.s32 $0x5;
	v10 =	vadd.s32 s25, v0;
	v4 =	vld.idx.msk [tilespmem:v4+s8+$0x0], $0xffff  }
0x1f: {  	s29 =	simm.s32 $0x6;
	v11 =	vadd.s32 s28, v0;
	v2 =	vld.idx.msk [tilespmem:v5+s8+$0x0], $0xffff  }
0x20: {  	s30 =	simm.s32 $0x7;
	v12 =	vadd.s32 s29, v0;
	v7 =	vld.idx.msk [tilespmem:v7+s8+$0x0], $0xffff  }
0x21: {  	s31 =	simm.s32 $0x8;
	v13 =	vadd.s32 s30, v0;
	v8 =	vld.idx.msk [tilespmem:v8+s8+$0x0], $0xffff;
	v6 =	vmul.u32 $0x3E8, v6  }
0x22: {  	v14 =	vadd.s32 s31, v0;
	v9 =	vld.idx.msk [tilespmem:v9+s8+$0x0], $0xffff  }
0x23: {  	s15 =	simm.s32 $0x9;
	v10 =	vld.idx.msk [tilespmem:v10+s8+$0x0], $0xffff;
	v3 =	vadd.s32 v3, v6  }
0x24: {  	v15 =	vadd.s32 s15, v0;
	v11 =	vld.idx.msk [tilespmem:v11+s8+$0x0], $0xffff;
	v4 =	vadd.s32 v4, v6  }
0x25: {  	s26 =	simm.s32 $0x1;
	v12 =	vld.idx.msk [tilespmem:v12+s8+$0x0], $0xffff;
	v4 =	vadd.s32 $0x64, v4  }
0x26: {  	v5 =	vadd.s32 s26, v1;
	v13 =	vld.idx.msk [tilespmem:v13+s8+$0x0], $0xffff;
	v7 =	vadd.s32 v7, v6  }
0x27: {  	s17 =	simm.s32 $0xA;
	v14 =	vld.idx.msk [tilespmem:v14+s8+$0x0], $0xffff;
	v7 =	vadd.s32 $0xC8, v7  }
0x28: {  	v17 =	vadd.s32 s17, v0;
	v8 =	vadd.s32 v8, v6;
	v3 =	vld.idx.msk [tilespmem:v3+s2+$0x0], $0xffff  }
0x29: {  	v15 =	vld.idx.msk [tilespmem:v15+s8+$0x0], $0xffff;
	v10 =	vadd.s32 v10, v6;
	v8 =	vadd.s32 $0x12C, v8  }
0x2a: {  	s16 =	simm.s32 $0xB;
	v10 =	vadd.s32 $0x190, v10;
	v4 =	vld.idx.msk [tilespmem:v4+s2+$0x0], $0xffff  }
0x2b: {  	v16 =	vadd.s32 s16, v0;
	v5 =	vld.idx.msk [tilespmem:v5+s8+$0x0], $0xffff;
	v11 =	vadd.s32 v11, v6  }
0x2c: {  	v18 =	vimm.f32 $0.0e+00;
	s18 =	simm.s32 $0xC;
	v11 =	vadd.s32 $0x1F4, v11;
	v7 =	vld.idx.msk [tilespmem:v7+s2+$0x0], $0xffff  }
0x2d: {  	v62 =	vadd.s32 s18, v0;
	v17 =	vld.idx.msk [tilespmem:v17+s8+$0x0], $0xffff;
	v12 =	vadd.s32 v12, v6;
	v3 =	vadd.f32 v3, v18  }
0x2e: {  	s19 =	simm.s32 $0xD;
	v12 =	vadd.s32 $0x258, v12;
	v8 =	vld.idx.msk [tilespmem:v8+s2+$0x0], $0xffff  }
0x2f: {  	v3 =	vadd.f32 v4, v3;
	v4 =	vld.idx.msk [tilespmem:v10+s2+$0x0], $0xffff;
	v10 =	vadd.s32 v13, v6;
	v13 =	vadd.s32 s19, v0  }
0x30: {  	s20 =	simm.s32 $0xE;
	v16 =	vld.idx.msk [tilespmem:v16+s8+$0x0], $0xffff;
	v5 =	vmul.u32 $0x3E8, v5;
	v10 =	vadd.s32 $0x2BC, v10  }
0x31: {  	v3 =	vadd.f32 v7, v3;
	v7 =	vld.idx.msk [tilespmem:v11+s2+$0x0], $0xffff;
	v11 =	vadd.s32 v14, v6;
	v14 =	vadd.s32 s20, v0  }
0x32: {  	s24 =	simm.s32 $0x12;
	v18 =	vld.idx.msk [tilespmem:v62+s8+$0x0], $0xffff;
	v6 =	vadd.s32 v15, v6;
	v11 =	vadd.s32 $0x320, v11  }
0x33: {  	v15 =	vadd.s32 v17, v5;
	v17 =	vadd.s32 s24, v0;
	v3 =	vadd.f32 v8, v3;
	v8 =	vld.idx.msk [tilespmem:v12+s2+$0x0], $0xffff  }
0x34: {  	s21 =	simm.s32 $0xF;
	v6 =	vadd.s32 $0x384, v6;
	v13 =	vld.idx.msk [tilespmem:v13+s8+$0x0], $0xffff  }
0x35: {  	v12 =	vadd.s32 s21, v0;
	v3 =	vadd.f32 v4, v3;
	v4 =	vld.idx.msk [tilespmem:v10+s2+$0x0], $0xffff  }
0x36: {  	s22 =	simm.s32 $0x10;
	v14 =	vld.idx.msk [tilespmem:v14+s8+$0x0], $0xffff  }
0x37: {  	v10 =	vadd.s32 s22, v0;
	v3 =	vadd.f32 v7, v3;
	v7 =	vld.idx.msk [tilespmem:v11+s2+$0x0], $0xffff;
	v11 =	vadd.s32 v16, v5  }
0x38: {  	s23 =	simm.s32 $0x11;
	v17 =	vld.idx.msk [tilespmem:v17+s8+$0x0], $0xffff;
	v11 =	vadd.s32 $0x64, v11  }
0x39: {  	v16 =	vadd.s32 s23, v0;
	v6 =	vld.idx.msk [tilespmem:v6+s2+$0x0], $0xffff;
	v3 =	vadd.f32 v8, v3;
	v8 =	vadd.s32 v18, v5  }
0x3a: {  	s25 =	simm.s32 $0x13;
	v12 =	vld.idx.msk [tilespmem:v12+s8+$0x0], $0xffff;
	v8 =	vadd.s32 $0xC8, v8  }
0x3b: {  	v13 =	vadd.s32 v13, v5;
	v3 =	vadd.f32 v4, v3;
	v4 =	vld.idx.msk [tilespmem:v15+s2+$0x0], $0xffff;
	v15 =	vadd.s32 s25, v0  }
0x3c: {  	s26 =	simm.s32 $0x15;
	v10 =	vld.idx.msk [tilespmem:v10+s8+$0x0], $0xffff;
	v13 =	vadd.s32 $0x12C, v13  }
0x3d: {  	v3 =	vadd.f32 v7, v3;
	v7 =	vld.idx.msk [tilespmem:v11+s2+$0x0], $0xffff;
	v11 =	vadd.s32 v14, v5;
	v14 =	vadd.s32 s26, v0  }
0x3e: {  	s28 =	simm.s32 $0x14;
	v16 =	vld.idx.msk [tilespmem:v16+s8+$0x0], $0xffff;
	v11 =	vadd.s32 $0x190, v11  }
0x3f: {  	v3 =	vadd.f32 v6, v3;
	v6 =	vld.idx.msk [tilespmem:v8+s2+$0x0], $0xffff;
	v8 =	vadd.s32 v12, v5;
	v12 =	vadd.s32 s28, v0  }
0x40: {  	s29 =	simm.s32 $0x16;
	v8 =	vadd.s32 $0x1F4, v8;
	v15 =	vld.idx.msk [tilespmem:v15+s8+$0x0], $0xffff  }
0x41: {  	v10 =	vadd.s32 v10, v5;
	v3 =	vadd.f32 v4, v3;
	v4 =	vld.idx.msk [tilespmem:v13+s2+$0x0], $0xffff;
	v13 =	vadd.s32 s29, v0  }
0x42: {  	s30 =	simm.s32 $0x17;
	v10 =	vadd.s32 $0x258, v10;
	v14 =	vld.idx.msk [tilespmem:v14+s8+$0x0], $0xffff  }
0x43: {  	v3 =	vadd.f32 v7, v3;
	v7 =	vld.idx.msk [tilespmem:v11+s2+$0x0], $0xffff;
	v11 =	vadd.s32 v16, v5;
	v16 =	vadd.s32 s30, v0  }
0x44: {  	s31 =	simm.s32 $0x18;
	v11 =	vadd.s32 $0x2BC, v11;
	v12 =	vld.idx.msk [tilespmem:v12+s8+$0x0], $0xffff  }
0x45: {  	v3 =	vadd.f32 v6, v3;
	v6 =	vld.idx.msk [tilespmem:v8+s2+$0x0], $0xffff;
	v8 =	vadd.s32 v17, v5;
	v17 =	vadd.s32 s31, v0  }
0x46: {  	s15 =	simm.s32 $0x19;
	v8 =	vadd.s32 $0x320, v8;
	v13 =	vld.idx.msk [tilespmem:v13+s8+$0x0], $0xffff  }
0x47: {  	v5 =	vadd.s32 v15, v5;
	v3 =	vadd.f32 v4, v3;
	v4 =	vld.idx.msk [tilespmem:v10+s2+$0x0], $0xffff;
	v10 =	vadd.s32 s15, v0  }
0x48: {  	s16 =	simm.s32 $0x1A;
	v9 =	vmul.u32 $0x3E8, v9;
	v5 =	vadd.s32 $0x384, v5;
	v15 =	vld.idx.msk [tilespmem:v16+s8+$0x0], $0xffff  }
0x49: {  	v3 =	vadd.f32 v7, v3;
	v7 =	vld.idx.msk [tilespmem:v11+s2+$0x0], $0xffff;
	v11 =	vadd.s32 s16, v0  }
0x4a: {  	s17 =	simm.s32 $0x1B;
	v12 =	vadd.s32 v12, v9;
	v16 =	vld.idx.msk [tilespmem:v17+s8+$0x0], $0xffff  }
0x4b: {  	v3 =	vadd.f32 v6, v3;
	v6 =	vld.idx.msk [tilespmem:v8+s2+$0x0], $0xffff;
	v8 =	vadd.s32 v14, v9;
	v14 =	vadd.s32 s17, v0  }
0x4c: {  	s18 =	simm.s32 $0x1C;
	v8 =	vadd.s32 $0x64, v8;
	v10 =	vld.idx.msk [tilespmem:v10+s8+$0x0], $0xffff  }
0x4d: {  	v3 =	vadd.f32 v4, v3;
	v4 =	vld.idx.msk [tilespmem:v5+s2+$0x0], $0xffff;
	v5 =	vadd.s32 v13, v9;
	v13 =	vadd.s32 s18, v0  }
0x4e: {  	s19 =	simm.s32 $0x1D;
	v5 =	vadd.s32 $0xC8, v5;
	v11 =	vld.idx.msk [tilespmem:v11+s8+$0x0], $0xffff  }
0x4f: {  	v3 =	vadd.f32 v7, v3;
	v7 =	vld.idx.msk [tilespmem:v12+s2+$0x0], $0xffff;
	v12 =	vadd.s32 v15, v9;
	v15 =	vadd.s32 s19, v0  }
0x50: {  	s20 =	simm.s32 $0x1F;
	v12 =	vadd.s32 $0x12C, v12;
	v14 =	vld.idx.msk [tilespmem:v14+s8+$0x0], $0xffff  }
0x51: {  	v3 =	vadd.f32 v6, v3;
	v6 =	vld.idx.msk [tilespmem:v8+s2+$0x0], $0xffff;
	v8 =	vadd.s32 v16, v9;
	v16 =	vadd.s32 s20, v0  }
0x52: {  	s21 =	simm.s32 $0x1E;
	v8 =	vadd.s32 $0x190, v8;
	v13 =	vld.idx.msk [tilespmem:v13+s8+$0x0], $0xffff  }
0x53: {  	v3 =	vadd.f32 v4, v3;
	v4 =	vld.idx.msk [tilespmem:v5+s2+$0x0], $0xffff;
	v5 =	vadd.s32 v10, v9;
	v10 =	vadd.s32 s21, v0  }
0x54: {  	v11 =	vadd.s32 v11, v9;
	v5 =	vadd.s32 $0x1F4, v5;
	v15 =	vld.idx.msk [tilespmem:v15+s8+$0x0], $0xffff  }
0x55: {  	s22 =	simm.s32 $0x20;
	v11 =	vadd.s32 $0x258, v11;
	v3 =	vadd.f32 v7, v3;
	v7 =	vld.idx.msk [tilespmem:v12+s2+$0x0], $0xffff  }
0x56: {  	s23 =	simm.s32 $0x21;
	v12 =	vadd.s32 s22, v0;
	v16 =	vld.idx.msk [tilespmem:v16+s8+$0x0], $0xffff  }
0x57: {  	v3 =	vadd.f32 v6, v3;
	v6 =	vld.idx.msk [tilespmem:v8+s2+$0x0], $0xffff;
	v8 =	vadd.s32 v14, v9;
	v14 =	vadd.s32 s23, v0  }
0x58: {  	s24 =	simm.s32 $0x22;
	v8 =	vadd.s32 $0x2BC, v8;
	v10 =	vld.idx.msk [tilespmem:v10+s8+$0x0], $0xffff  }
0x59: {  	v3 =	vadd.f32 v4, v3;
	v4 =	vld.idx.msk [tilespmem:v5+s2+$0x0], $0xffff;
	v5 =	vadd.s32 v13, v9;
	v13 =	vadd.s32 s24, v0  }
0x5a: {  	s25 =	simm.s32 $0x23;
	v11 =	vld.idx.msk [tilespmem:v11+s2+$0x0], $0xffff;
	v5 =	vadd.s32 $0x320, v5  }
0x5b: {  	v12 =	vld.idx.msk [tilespmem:v12+s8+$0x0], $0xffff;
	v7 =	vadd.f32 v7, v3;
	v3 =	vadd.s32 v15, v9;
	v9 =	vadd.s32 s25, v0  }
0x5c: {  	s26 =	simm.s32 $0x24;
	v15 =	vadd.s32 $0x384, v3;
	v3 =	vmul.u32 $0x3E8, v2;
	v2 =	vld.idx.msk [tilespmem:v14+s8+$0x0], $0xffff  }
0x5d: {  	s28 =	simm.s32 $0x25;
	v6 =	vadd.f32 v6, v7;
	v7 =	vld.idx.msk [tilespmem:v8+s2+$0x0], $0xffff;
	v8 =	vadd.s32 s26, v0  }
0x5e: {  	v14 =	vadd.s32 s28, v0;
	v13 =	vld.idx.msk [tilespmem:v13+s8+$0x0], $0xffff  }
0x5f: {  	v10 =	vadd.s32 v10, v3;
	v4 =	vadd.f32 v4, v6;
	v5 =	vld.idx.msk [tilespmem:v5+s2+$0x0], $0xffff;
	v6 =	vadd.s32 v16, v3  }
0x60: {  	s29 =	simm.s32 $0x26;
	v6 =	vadd.s32 $0x64, v6;
	v16 =	vld.idx.msk [tilespmem:v9+s8+$0x0], $0xffff  }
0x61: {  	v9 =	vadd.s32 v12, v3;
	v12 =	vadd.s32 s29, v0;
	v4 =	vadd.f32 v11, v4;
	v11 =	vld.idx.msk [tilespmem:v15+s2+$0x0], $0xffff  }
0x62: {  	s30 =	simm.s32 $0x27;
	v15 =	vadd.s32 $0xC8, v9;
	v2 =	vadd.s32 v2, v3;
	v17 =	vld.idx.msk [tilespmem:v8+s8+$0x0], $0xffff  }
0x63: {  	v63 =	vadd.s32 s30, v0;
	v19 =	vadd.s32 $0x12C, v2;
	v2 =	vld.idx.msk [tilespmem:v14+s8+$0x0], $0xffff;
	v4 =	vadd.f32 v7, v4  }
0x64: {  	s15 =	simm.s32 $0x4;
	v8 =	vld.idx.msk [tilespmem:v10+s2+$0x0], $0xffff  }
0x65: {  	v9 =	vadd.s32 s15, v1;
	v10 =	vadd.s32 v13, v3;
	v5 =	vadd.f32 v5, v4;
	v7 =	vld.idx.msk [tilespmem:v6+s2+$0x0], $0xffff  }
0x66: {  	s31 =	simm.s32 $0x7;
	v13 =	vadd.s32 $0x190, v10;
	v4 =	vld.idx.msk [tilespmem:v12+s8+$0x0], $0xffff  }
0x67: {  	v10 =	vadd.s32 s31, v1;
	v6 =	vld.idx.msk [tilespmem:v15+s2+$0x0], $0xffff;
	v14 =	vadd.f32 v11, v5;
	v5 =	vadd.s32 v16, v3  }
0x68: {  	s16 =	simm.s32 $0x29;
	v11 =	vadd.s32 $0x1F4, v5;
	v5 =	vld.idx.msk [tilespmem:v63+s8+$0x0], $0xffff  }
0x69: {  	s14 =	simm.s32 $0x4F;
	v12 =	vadd.s32 s16, v0;
	s16 =	simm.s32 $0x8;
	v15 =	vadd.s32 v17, v3;
	v14 =	vadd.f32 v8, v14;
	v8 =	vld.idx.msk [tilespmem:v19+s2+$0x0], $0xffff  }
.LBB2_2:
0x6a: {  	p1 =	slt.u32 s16, $0x60;
	v9 =	vld.idx.msk [tilespmem:v9+s8+$0x0], $0xffff;
	s17 =	sadd.s32 $0xFFFFFFD9, s14;
	v15 =	vadd.s32 $0x258, v15  }
0x6b: {  	v16 =	vadd.s32 s17, v0;
	v7 =	vadd.f32 v7, v14;
	v13 =	vld.idx.msk [tilespmem:v13+s2+$0x0], $0xffff;
	v14 =	vadd.s32 v2, v3  }
0x6c: {  	s17 =	sadd.s32 $0xFFFFFFDB, s14;
	v2 =	vld.idx.msk [tilespmem:v10+s8+$0x0], $0xffff;
	v10 =	vadd.s32 $0x2BC, v14  }
0x6d: {  	v4 =	vadd.s32 v4, v3;
	v14 =	vadd.s32 s17, v0;
	v6 =	vadd.f32 v6, v7;
	v7 =	vld.idx.msk [tilespmem:v11+s2+$0x0], $0xffff  }
0x6e: {  	s17 =	sadd.s32 $0xFFFFFFDC, s14;
	v4 =	vadd.s32 $0x320, v4;
	v11 =	vld.idx.msk [tilespmem:v12+s8+$0x0], $0xffff  }
0x6f: {  	v3 =	vadd.s32 v5, v3;
	v12 =	vadd.s32 s17, v0;
	v6 =	vadd.f32 v8, v6;
	v8 =	vld.idx.msk [tilespmem:v15+s2+$0x0], $0xffff  }
0x70: {  	s17 =	sadd.s32 $0x2, s15;
	v3 =	vadd.s32 $0x384, v3;
	v5 =	vld.idx.msk [tilespmem:v16+s8+$0x0], $0xffff  }
0x71: {  	s18 =	sadd.s32 $0xFFFFFFDD, s14;
	v15 =	vadd.s32 s17, v1;
	v6 =	vadd.f32 v13, v6;
	v10 =	vld.idx.msk [tilespmem:v10+s2+$0x0], $0xffff  }
0x72: {  	s17 =	sadd.s32 $0x1, s15;
	s15 =	smov.u32 s16;
	v13 =	vld.idx.msk [tilespmem:v14+s8+$0x0], $0xffff;
	v14 =	vadd.s32 s18, v0  }
0x73: {  	v16 =	vadd.s32 s17, v1;
	s18 =	sadd.s32 $0xFFFFFFDE, s14;
	v6 =	vadd.f32 v7, v6;
	v4 =	vld.idx.msk [tilespmem:v4+s2+$0x0], $0xffff  }
0x74: {  	s17 =	sadd.s32 $0xFFFFFFDF, s14;
	v7 =	vmul.u32 $0x3E8, v9;
	v9 =	vld.idx.msk [tilespmem:v12+s8+$0x0], $0xffff;
	v12 =	vadd.s32 s18, v0  }
0x75: {  	v17 =	vadd.s32 s17, v0;
	v6 =	vadd.f32 v8, v6;
	v8 =	vld.idx.msk [tilespmem:v3+s2+$0x0], $0xffff  }
0x76: {  	s17 =	sadd.s32 $0xFFFFFFE0, s14;
	v5 =	vadd.s32 v5, v7;
	v3 =	vld.idx.msk [tilespmem:v15+s8+$0x0], $0xffff  }
0x77: {  	v11 =	vadd.s32 v11, v7;
	v15 =	vadd.s32 s17, v0;
	v14 =	vld.idx.msk [tilespmem:v14+s8+$0x0], $0xffff;
	v6 =	vadd.f32 v10, v6  }
0x78: {  	s17 =	sadd.s32 $0xFFFFFFE1, s14;
	v10 =	vadd.s32 $0x64, v11;
	v11 =	vld.idx.msk [tilespmem:v16+s8+$0x0], $0xffff  }
0x79: {  	v13 =	vadd.s32 v13, v7;
	v16 =	vadd.s32 s17, v0;
	v12 =	vld.idx.msk [tilespmem:v12+s8+$0x0], $0xffff;
	v4 =	vadd.f32 v4, v6  }
0x7a: {  	s17 =	sadd.s32 $0xFFFFFFE2, s14;
	v6 =	vadd.s32 $0xC8, v13;
	v13 =	vld.idx.msk [tilespmem:v17+s8+$0x0], $0xffff  }
0x7b: {  	v9 =	vadd.s32 v9, v7;
	v17 =	vadd.s32 s17, v0;
	v5 =	vld.idx.msk [tilespmem:v5+s2+$0x0], $0xffff;
	v4 =	vadd.f32 v8, v4  }
0x7c: {  	s17 =	sadd.s32 $0xFFFFFFE4, s14;
	v8 =	vadd.s32 $0x12C, v9;
	v9 =	vld.idx.msk [tilespmem:v15+s8+$0x0], $0xffff  }
0x7d: {  	v14 =	vadd.s32 v14, v7;
	v15 =	vadd.s32 s17, v0;
	v10 =	vld.idx.msk [tilespmem:v10+s2+$0x0], $0xffff  }
0x7e: {  	s17 =	sadd.s32 $0xFFFFFFE3, s14;
	v14 =	vadd.s32 $0x190, v14;
	v16 =	vld.idx.msk [tilespmem:v16+s8+$0x0], $0xffff  }
0x7f: {  	v18 =	vadd.s32 s17, v0;
	v12 =	vadd.s32 v12, v7;
	v6 =	vld.idx.msk [tilespmem:v6+s2+$0x0], $0xffff  }
0x80: {  	s17 =	sadd.s32 $0xFFFFFFE5, s14;
	v12 =	vadd.s32 $0x1F4, v12;
	v17 =	vld.idx.msk [tilespmem:v17+s8+$0x0], $0xffff  }
0x81: {  	v4 =	vadd.f32 v5, v4;
	v5 =	vld.idx.msk [tilespmem:v8+s2+$0x0], $0xffff;
	v8 =	vadd.s32 v13, v7;
	v13 =	vadd.s32 s17, v0  }
0x82: {  	s17 =	sadd.s32 $0xFFFFFFE6, s14;
	v8 =	vadd.s32 $0x258, v8;
	v15 =	vld.idx.msk [tilespmem:v15+s8+$0x0], $0xffff  }
0x83: {  	v9 =	vadd.s32 v9, v7;
	v4 =	vadd.f32 v10, v4;
	v10 =	vld.idx.msk [tilespmem:v14+s2+$0x0], $0xffff;
	v14 =	vadd.s32 s17, v0  }
0x84: {  	v9 =	vadd.s32 $0x2BC, v9;
	s17 =	sadd.s32 $0xFFFFFFE7, s14;
	v18 =	vld.idx.msk [tilespmem:v18+s8+$0x0], $0xffff  }
0x85: {  	v4 =	vadd.f32 v6, v4;
	v6 =	vld.idx.msk [tilespmem:v12+s2+$0x0], $0xffff;
	v12 =	vadd.s32 v16, v7;
	v16 =	vadd.s32 s17, v0  }
0x86: {  	s17 =	sadd.s32 $0xFFFFFFE8, s14;
	v12 =	vadd.s32 $0x320, v12;
	v13 =	vld.idx.msk [tilespmem:v13+s8+$0x0], $0xffff  }
0x87: {  	v7 =	vadd.s32 v17, v7;
	v4 =	vadd.f32 v5, v4;
	v5 =	vld.idx.msk [tilespmem:v8+s2+$0x0], $0xffff;
	v8 =	vadd.s32 s17, v0  }
0x88: {  	v11 =	vmul.u32 $0x3E8, v11;
	v7 =	vadd.s32 $0x384, v7;
	s17 =	sadd.s32 $0xFFFFFFE9, s14;
	v14 =	vld.idx.msk [tilespmem:v14+s8+$0x0], $0xffff  }
0x89: {  	v4 =	vadd.f32 v10, v4;
	v10 =	vadd.s32 s17, v0;
	v9 =	vld.idx.msk [tilespmem:v9+s2+$0x0], $0xffff  }
0x8a: {  	s17 =	sadd.s32 $0xFFFFFFEA, s14;
	v17 =	vadd.s32 v18, v11;
	v16 =	vld.idx.msk [tilespmem:v16+s8+$0x0], $0xffff  }
0x8b: {  	v4 =	vadd.f32 v6, v4;
	v6 =	vld.idx.msk [tilespmem:v12+s2+$0x0], $0xffff;
	v12 =	vadd.s32 v15, v11;
	v15 =	vadd.s32 s17, v0  }
0x8c: {  	s17 =	sadd.s32 $0xFFFFFFEB, s14;
	v12 =	vadd.s32 $0x64, v12;
	v8 =	vld.idx.msk [tilespmem:v8+s8+$0x0], $0xffff  }
0x8d: {  	v4 =	vadd.f32 v5, v4;
	v5 =	vld.idx.msk [tilespmem:v7+s2+$0x0], $0xffff;
	v7 =	vadd.s32 v13, v11;
	v13 =	vadd.s32 s17, v0  }
0x8e: {  	s17 =	sadd.s32 $0xFFFFFFEC, s14;
	v7 =	vadd.s32 $0xC8, v7;
	v10 =	vld.idx.msk [tilespmem:v10+s8+$0x0], $0xffff  }
0x8f: {  	v14 =	vadd.s32 v14, v11;
	v4 =	vadd.f32 v9, v4;
	v9 =	vld.idx.msk [tilespmem:v17+s2+$0x0], $0xffff;
	v17 =	vadd.s32 s17, v0  }
0x90: {  	v14 =	vadd.s32 $0x12C, v14;
	s17 =	sadd.s32 $0xFFFFFFEE, s14;
	v15 =	vld.idx.msk [tilespmem:v15+s8+$0x0], $0xffff  }
0x91: {  	v4 =	vadd.f32 v6, v4;
	v6 =	vld.idx.msk [tilespmem:v12+s2+$0x0], $0xffff;
	v12 =	vadd.s32 v16, v11;
	v16 =	vadd.s32 s17, v0  }
0x92: {  	s17 =	sadd.s32 $0xFFFFFFED, s14;
	v12 =	vadd.s32 $0x190, v12;
	v13 =	vld.idx.msk [tilespmem:v13+s8+$0x0], $0xffff  }
0x93: {  	v4 =	vadd.f32 v5, v4;
	v5 =	vld.idx.msk [tilespmem:v7+s2+$0x0], $0xffff;
	v7 =	vadd.s32 v8, v11;
	v8 =	vadd.s32 s17, v0  }
0x94: {  	s17 =	sadd.s32 $0xFFFFFFEF, s14;
	v7 =	vadd.s32 $0x1F4, v7;
	v17 =	vld.idx.msk [tilespmem:v17+s8+$0x0], $0xffff  }
0x95: {  	v10 =	vadd.s32 v10, v11;
	v4 =	vadd.f32 v9, v4;
	v9 =	vld.idx.msk [tilespmem:v14+s2+$0x0], $0xffff;
	v14 =	vadd.s32 s17, v0  }
0x96: {  	v10 =	vadd.s32 $0x258, v10;
	s17 =	sadd.s32 $0xFFFFFFF0, s14;
	v16 =	vld.idx.msk [tilespmem:v16+s8+$0x0], $0xffff  }
0x97: {  	v4 =	vadd.f32 v6, v4;
	v6 =	vld.idx.msk [tilespmem:v12+s2+$0x0], $0xffff;
	v12 =	vadd.s32 v15, v11;
	v15 =	vadd.s32 s17, v0  }
0x98: {  	s17 =	sadd.s32 $0xFFFFFFF1, s14;
	v12 =	vadd.s32 $0x2BC, v12;
	v8 =	vld.idx.msk [tilespmem:v8+s8+$0x0], $0xffff  }
0x99: {  	v4 =	vadd.f32 v5, v4;
	v5 =	vld.idx.msk [tilespmem:v7+s2+$0x0], $0xffff;
	v7 =	vadd.s32 v13, v11;
	v13 =	vadd.s32 s17, v0  }
0x9a: {  	s17 =	sadd.s32 $0xFFFFFFF2, s14;
	v7 =	vadd.s32 $0x320, v7;
	v14 =	vld.idx.msk [tilespmem:v14+s8+$0x0], $0xffff  }
0x9b: {  	v4 =	vadd.f32 v9, v4;
	v9 =	vld.idx.msk [tilespmem:v10+s2+$0x0], $0xffff;
	v10 =	vadd.s32 v17, v11;
	v11 =	vadd.s32 s17, v0  }
0x9c: {  	v3 =	vmul.u32 $0x3E8, v3;
	s17 =	sadd.s32 $0xFFFFFFF3, s14;
	v10 =	vadd.s32 $0x384, v10;
	v15 =	vld.idx.msk [tilespmem:v15+s8+$0x0], $0xffff  }
0x9d: {  	v4 =	vadd.f32 v6, v4;
	v6 =	vld.idx.msk [tilespmem:v12+s2+$0x0], $0xffff;
	v12 =	vadd.s32 s17, v0  }
0x9e: {  	v8 =	vadd.s32 v8, v3;
	s17 =	sadd.s32 $0xFFFFFFF4, s14;
	v13 =	vld.idx.msk [tilespmem:v13+s8+$0x0], $0xffff  }
0x9f: {  	v4 =	vadd.f32 v5, v4;
	v5 =	vld.idx.msk [tilespmem:v7+s2+$0x0], $0xffff;
	v7 =	vadd.s32 v16, v3;
	v16 =	vadd.s32 s17, v0  }
0xa0: {  	s17 =	sadd.s32 $0xFFFFFFF5, s14;
	v7 =	vadd.s32 $0x64, v7;
	v11 =	vld.idx.msk [tilespmem:v11+s8+$0x0], $0xffff  }
0xa1: {  	v4 =	vadd.f32 v9, v4;
	v9 =	vld.idx.msk [tilespmem:v10+s2+$0x0], $0xffff;
	v10 =	vadd.s32 v14, v3;
	v14 =	vadd.s32 s17, v0  }
0xa2: {  	s17 =	sadd.s32 $0xFFFFFFF6, s14;
	v10 =	vadd.s32 $0xC8, v10;
	v12 =	vld.idx.msk [tilespmem:v12+s8+$0x0], $0xffff  }
0xa3: {  	v4 =	vadd.f32 v6, v4;
	v6 =	vld.idx.msk [tilespmem:v8+s2+$0x0], $0xffff;
	v8 =	vadd.s32 v15, v3;
	v15 =	vadd.s32 s17, v0  }
0xa4: {  	s17 =	sadd.s32 $0xFFFFFFF8, s14;
	v8 =	vadd.s32 $0x12C, v8;
	v16 =	vld.idx.msk [tilespmem:v16+s8+$0x0], $0xffff  }
0xa5: {  	v4 =	vadd.f32 v5, v4;
	v5 =	vld.idx.msk [tilespmem:v7+s2+$0x0], $0xffff;
	v7 =	vadd.s32 v13, v3;
	v13 =	vadd.s32 s17, v0  }
0xa6: {  	s17 =	sadd.s32 $0xFFFFFFF7, s14;
	v7 =	vadd.s32 $0x190, v7;
	v14 =	vld.idx.msk [tilespmem:v14+s8+$0x0], $0xffff  }
0xa7: {  	v4 =	vadd.f32 v9, v4;
	v9 =	vld.idx.msk [tilespmem:v10+s2+$0x0], $0xffff;
	v10 =	vadd.s32 v11, v3;
	v11 =	vadd.s32 s17, v0  }
0xa8: {  	s17 =	sadd.s32 $0xFFFFFFF9, s14;
	v10 =	vadd.s32 $0x1F4, v10;
	v15 =	vld.idx.msk [tilespmem:v15+s8+$0x0], $0xffff  }
0xa9: {  	v4 =	vadd.f32 v6, v4;
	v6 =	vld.idx.msk [tilespmem:v8+s2+$0x0], $0xffff;
	v8 =	vadd.s32 v12, v3;
	v12 =	vadd.s32 s17, v0  }
0xaa: {  	s17 =	sadd.s32 $0xFFFFFFFA, s14;
	v8 =	vadd.s32 $0x258, v8;
	v13 =	vld.idx.msk [tilespmem:v13+s8+$0x0], $0xffff  }
0xab: {  	v4 =	vadd.f32 v5, v4;
	v5 =	vld.idx.msk [tilespmem:v7+s2+$0x0], $0xffff;
	v7 =	vadd.s32 v16, v3;
	v16 =	vadd.s32 s17, v0  }
0xac: {  	s17 =	sadd.s32 $0xFFFFFFFB, s14;
	v7 =	vadd.s32 $0x2BC, v7;
	v11 =	vld.idx.msk [tilespmem:v11+s8+$0x0], $0xffff  }
0xad: {  	v4 =	vadd.f32 v9, v4;
	v9 =	vld.idx.msk [tilespmem:v10+s2+$0x0], $0xffff;
	v10 =	vadd.s32 v14, v3;
	v14 =	vadd.s32 s17, v0  }
0xae: {  	s17 =	sadd.s32 $0xFFFFFFFC, s14;
	v10 =	vadd.s32 $0x320, v10;
	v12 =	vld.idx.msk [tilespmem:v12+s8+$0x0], $0xffff  }
0xaf: {  	v3 =	vadd.s32 v15, v3;
	v4 =	vadd.f32 v6, v4;
	v6 =	vld.idx.msk [tilespmem:v8+s2+$0x0], $0xffff;
	v8 =	vadd.s32 s17, v0  }
0xb0: {  	v15 =	vadd.s32 $0x384, v3;
	v3 =	vmul.u32 $0x3E8, v2;
	s17 =	sadd.s32 $0xFFFFFFFD, s14;
	v2 =	vld.idx.msk [tilespmem:v16+s8+$0x0], $0xffff  }
0xb1: {  	v4 =	vadd.f32 v5, v4;
	v5 =	vld.idx.msk [tilespmem:v7+s2+$0x0], $0xffff;
	v7 =	vadd.s32 s17, v0  }
0xb2: {  	v11 =	vadd.s32 v11, v3;
	s17 =	sadd.s32 $0xFFFFFFFE, s14;
	v14 =	vld.idx.msk [tilespmem:v14+s8+$0x0], $0xffff  }
0xb3: {  	v4 =	vadd.f32 v9, v4;
	v9 =	vadd.s32 v13, v3;
	v13 =	vadd.s32 s17, v0;
	v10 =	vld.idx.msk [tilespmem:v10+s2+$0x0], $0xffff  }
0xb4: {  	s17 =	sadd.s32 $0xFFFFFFFF, s14;
	v16 =	vadd.s32 $0x64, v9;
	v8 =	vld.idx.msk [tilespmem:v8+s8+$0x0], $0xffff  }
0xb5: {  	v9 =	vadd.s32 v12, v3;
	v12 =	vadd.s32 s17, v0;
	v4 =	vadd.f32 v6, v4;
	v6 =	vld.idx.msk [tilespmem:v15+s2+$0x0], $0xffff  }
0xb6: {  	v15 =	vadd.s32 $0xC8, v9;
	v17 =	vld.idx.msk [tilespmem:v7+s8+$0x0], $0xffff  }
0xb7: {  	v2 =	vadd.s32 v2, v3;
	v4 =	vadd.f32 v5, v4;
	v5 =	vadd.s32 s14, v0;
	v18 =	vld.idx.msk [tilespmem:v11+s2+$0x0], $0xffff  }
0xb8: {  	v19 =	vadd.s32 $0x12C, v2;
	v2 =	vld.idx.msk [tilespmem:v13+s8+$0x0], $0xffff  }
.Ltmp0:
0xb9: {  	v9 =	vadd.s32 s16, v1;
	v11 =	vadd.f32 v10, v4;
	v4 =	vadd.s32 v14, v3;
	v7 =	vld.idx.msk [tilespmem:v16+s2+$0x0], $0xffff;
	(pc) =	sbr.rel @p1 .LBB2_2-.Ltmp0, $4  }
0xba: {  	s17 =	sadd.s32 $0x3, s16;
	v13 =	vadd.s32 $0x190, v4;
	v4 =	vld.idx.msk [tilespmem:v12+s8+$0x0], $0xffff  }
0xbb: {  	s14 =	sadd.s32 $0x28, s14;
	v10 =	vadd.s32 s17, v1;
	v8 =	vadd.s32 v8, v3;
	v14 =	vadd.f32 v6, v11;
	v6 =	vld.idx.msk [tilespmem:v15+s2+$0x0], $0xffff  }
0xbc: {  	s17 =	sadd.s32 $0xFFFFFFDA, s14;
	v11 =	vadd.s32 $0x1F4, v8;
	v5 =	vld.idx.msk [tilespmem:v5+s8+$0x0], $0xffff  }
0xbd: {  	s16 =	sadd.s32 $0x4, s16;
	v12 =	vadd.s32 s17, v0;
	v15 =	vadd.s32 v17, v3;
	v14 =	vadd.f32 v18, v14;
	v8 =	vld.idx.msk [tilespmem:v19+s2+$0x0], $0xffff  }
0xbe: {  	_ =	sdelay $0x3  }
0xbf: {  	v9 =	vld.idx.msk [tilespmem:v9+s8+$0x0], $0xffff;
	s16 =	sadd.s32 $0xFFFFFFD9, s14;
	v15 =	vadd.s32 $0x258, v15  }
0xc0: {  	v13 =	vld.idx.msk [tilespmem:v13+s2+$0x0], $0xffff;
	v17 =	vadd.s32 v2, v3;
	v16 =	vadd.s32 s16, v0  }
0xc1: {  	s24 =	sadd.s32 $0xFFFFFFDB, s14;
	v2 =	vld.idx.msk [tilespmem:v10+s8+$0x0], $0xffff;
	v10 =	vadd.s32 $0x2BC, v17  }
0xc2: {  	v11 =	vld.idx.msk [tilespmem:v11+s2+$0x0], $0xffff;
	v7 =	vadd.f32 v7, v14;
	v14 =	vadd.s32 s24, v0;
	v4 =	vadd.s32 v4, v3  }
0xc3: {  	v12 =	vld.idx.msk [tilespmem:v12+s8+$0x0], $0xffff;
	s25 =	sadd.s32 $0xFFFFFFDC, s14;
	v4 =	vadd.s32 $0x320, v4  }
0xc4: {  	v6 =	vadd.f32 v6, v7;
	v7 =	vadd.s32 s25, v0;
	v3 =	vadd.s32 v5, v3;
	v15 =	vld.idx.msk [tilespmem:v15+s2+$0x0], $0xffff  }
0xc5: {  	s26 =	sadd.s32 $0x2, s15;
	v3 =	vadd.s32 $0x384, v3;
	v5 =	vld.idx.msk [tilespmem:v16+s8+$0x0], $0xffff  }
0xc6: {  	s17 =	sadd.s32 $0xFFFFFFDD, s14;
	v6 =	vadd.f32 v8, v6;
	v8 =	vadd.s32 s26, v1;
	v10 =	vld.idx.msk [tilespmem:v10+s2+$0x0], $0xffff  }
0xc7: {  	s28 =	sadd.s32 $0x1, s15;
	v14 =	vld.idx.msk [tilespmem:v14+s8+$0x0], $0xffff;
	v16 =	vadd.s32 s17, v0  }
0xc8: {  	s29 =	sadd.s32 $0xFFFFFFDE, s14;
	v9 =	vmul.u32 $0x3E8, v9;
	v6 =	vadd.f32 v13, v6;
	v13 =	vadd.s32 s28, v1;
	v4 =	vld.idx.msk [tilespmem:v4+s2+$0x0], $0xffff  }
0xc9: {  	v17 =	vadd.s32 s29, v0;
	v7 =	vld.idx.msk [tilespmem:v7+s8+$0x0], $0xffff  }
0xca: {  	s30 =	sadd.s32 $0xFFFFFFDF, s14;
	v6 =	vadd.f32 v11, v6;
	v11 =	vld.idx.msk [tilespmem:v3+s2+$0x0], $0xffff;
	v5 =	vadd.s32 v5, v9  }
0xcb: {  	v18 =	vadd.s32 s30, v0;
	v3 =	vld.idx.msk [tilespmem:v8+s8+$0x0], $0xffff;
	v8 =	vadd.s32 v12, v9  }
0xcc: {  	s31 =	sadd.s32 $0xFFFFFFE0, s14;
	v6 =	vadd.f32 v15, v6;
	v12 =	vld.idx.msk [tilespmem:v16+s8+$0x0], $0xffff;
	v8 =	vadd.s32 $0x64, v8  }
0xcd: {  	v15 =	vadd.s32 s31, v0;
	v14 =	vadd.s32 v14, v9;
	v13 =	vld.idx.msk [tilespmem:v13+s8+$0x0], $0xffff  }
0xce: {  	s16 =	sadd.s32 $0xFFFFFFE1, s14;
	v14 =	vadd.s32 $0xC8, v14;
	v6 =	vadd.f32 v10, v6;
	v10 =	vld.idx.msk [tilespmem:v17+s8+$0x0], $0xffff  }
0xcf: {  	v16 =	vadd.s32 s16, v0;
	v7 =	vadd.s32 v7, v9;
	v5 =	vld.idx.msk [tilespmem:v5+s2+$0x0], $0xffff  }
0xd0: {  	s17 =	sadd.s32 $0xFFFFFFE2, s14;
	v7 =	vadd.s32 $0x12C, v7;
	v4 =	vadd.f32 v4, v6;
	v6 =	vld.idx.msk [tilespmem:v18+s8+$0x0], $0xffff  }
0xd1: {  	v17 =	vadd.s32 s17, v0;
	v8 =	vld.idx.msk [tilespmem:v8+s2+$0x0], $0xffff;
	v12 =	vadd.s32 v12, v9  }
0xd2: {  	s18 =	sadd.s32 $0xFFFFFFE3, s14;
	v4 =	vadd.f32 v11, v4;
	v11 =	vld.idx.msk [tilespmem:v15+s8+$0x0], $0xffff;
	v12 =	vadd.s32 $0x190, v12  }
0xd3: {  	v14 =	vld.idx.msk [tilespmem:v14+s2+$0x0], $0xffff;
	v15 =	vadd.s32 s18, v0;
	v10 =	vadd.s32 v10, v9  }
0xd4: {  	s19 =	sadd.s32 $0xFFFFFFE4, s14;
	v16 =	vld.idx.msk [tilespmem:v16+s8+$0x0], $0xffff;
	v10 =	vadd.s32 $0x1F4, v10;
	v4 =	vadd.f32 v5, v4  }
0xd5: {  	v7 =	vld.idx.msk [tilespmem:v7+s2+$0x0], $0xffff;
	v6 =	vadd.s32 v6, v9;
	v5 =	vadd.s32 s19, v0  }
0xd6: {  	s20 =	sadd.s32 $0xFFFFFFE5, s14;
	v17 =	vld.idx.msk [tilespmem:v17+s8+$0x0], $0xffff;
	v6 =	vadd.s32 $0x258, v6;
	v4 =	vadd.f32 v8, v4  }
0xd7: {  	v12 =	vld.idx.msk [tilespmem:v12+s2+$0x0], $0xffff;
	v11 =	vadd.s32 v11, v9;
	v8 =	vadd.s32 s20, v0  }
0xd8: {  	s21 =	sadd.s32 $0xFFFFFFE6, s14;
	v15 =	vld.idx.msk [tilespmem:v15+s8+$0x0], $0xffff;
	v11 =	vadd.s32 $0x2BC, v11;
	v4 =	vadd.f32 v14, v4  }
0xd9: {  	v16 =	vadd.s32 v16, v9;
	v10 =	vld.idx.msk [tilespmem:v10+s2+$0x0], $0xffff;
	v14 =	vadd.s32 s21, v0  }
0xda: {  	s22 =	sadd.s32 $0xFFFFFFE7, s14;
	v16 =	vadd.s32 $0x320, v16;
	v5 =	vld.idx.msk [tilespmem:v5+s8+$0x0], $0xffff;
	v4 =	vadd.f32 v7, v4  }
0xdb: {  	v9 =	vadd.s32 v17, v9;
	v6 =	vld.idx.msk [tilespmem:v6+s2+$0x0], $0xffff;
	v7 =	vadd.s32 s22, v0  }
0xdc: {  	s23 =	sadd.s32 $0xFFFFFFE8, s14;
	v13 =	vmul.u32 $0x3E8, v13;
	v9 =	vadd.s32 $0x384, v9;
	v8 =	vld.idx.msk [tilespmem:v8+s8+$0x0], $0xffff;
	v4 =	vadd.f32 v12, v4  }
0xdd: {  	v11 =	vld.idx.msk [tilespmem:v11+s2+$0x0], $0xffff;
	v12 =	vadd.s32 s23, v0  }
0xde: {  	s24 =	sadd.s32 $0xFFFFFFE9, s14;
	v15 =	vadd.s32 v15, v13;
	v14 =	vld.idx.msk [tilespmem:v14+s8+$0x0], $0xffff;
	v4 =	vadd.f32 v10, v4  }
0xdf: {  	v16 =	vld.idx.msk [tilespmem:v16+s2+$0x0], $0xffff;
	v10 =	vadd.s32 s24, v0;
	v5 =	vadd.s32 v5, v13  }
0xe0: {  	s25 =	sadd.s32 $0xFFFFFFEA, s14;
	v7 =	vld.idx.msk [tilespmem:v7+s8+$0x0], $0xffff;
	v5 =	vadd.s32 $0x64, v5;
	v4 =	vadd.f32 v6, v4  }
0xe1: {  	v9 =	vld.idx.msk [tilespmem:v9+s2+$0x0], $0xffff;
	v6 =	vadd.s32 s25, v0;
	v8 =	vadd.s32 v8, v13  }
0xe2: {  	s26 =	sadd.s32 $0xFFFFFFEB, s14;
	v12 =	vld.idx.msk [tilespmem:v12+s8+$0x0], $0xffff;
	v8 =	vadd.s32 $0xC8, v8;
	v4 =	vadd.f32 v11, v4  }
0xe3: {  	v15 =	vld.idx.msk [tilespmem:v15+s2+$0x0], $0xffff;
	v11 =	vadd.s32 s26, v0;
	v14 =	vadd.s32 v14, v13  }
0xe4: {  	s28 =	sadd.s32 $0xFFFFFFEC, s14;
	v10 =	vld.idx.msk [tilespmem:v10+s8+$0x0], $0xffff;
	v14 =	vadd.s32 $0x12C, v14;
	v4 =	vadd.f32 v16, v4  }
0xe5: {  	v16 =	vadd.s32 s28, v0;
	v5 =	vld.idx.msk [tilespmem:v5+s2+$0x0], $0xffff;
	v7 =	vadd.s32 v7, v13  }
0xe6: {  	s29 =	sadd.s32 $0xFFFFFFED, s14;
	v6 =	vld.idx.msk [tilespmem:v6+s8+$0x0], $0xffff;
	v7 =	vadd.s32 $0x190, v7;
	v4 =	vadd.f32 v9, v4  }
0xe7: {  	v8 =	vld.idx.msk [tilespmem:v8+s2+$0x0], $0xffff;
	v9 =	vadd.s32 v12, v13;
	v12 =	vadd.s32 s29, v0  }
0xe8: {  	s30 =	sadd.s32 $0xFFFFFFEE, s14;
	v11 =	vld.idx.msk [tilespmem:v11+s8+$0x0], $0xffff;
	v9 =	vadd.s32 $0x1F4, v9;
	v4 =	vadd.f32 v15, v4  }
0xe9: {  	v15 =	vadd.s32 s30, v0;
	v14 =	vld.idx.msk [tilespmem:v14+s2+$0x0], $0xffff;
	v10 =	vadd.s32 v10, v13  }
0xea: {  	s31 =	sadd.s32 $0xFFFFFFEF, s14;
	v16 =	vld.idx.msk [tilespmem:v16+s8+$0x0], $0xffff;
	v10 =	vadd.s32 $0x258, v10;
	v4 =	vadd.f32 v5, v4  }
0xeb: {  	v5 =	vadd.s32 s31, v0;
	v7 =	vld.idx.msk [tilespmem:v7+s2+$0x0], $0xffff;
	v6 =	vadd.s32 v6, v13  }
0xec: {  	s16 =	sadd.s32 $0xFFFFFFF0, s14;
	v6 =	vadd.s32 $0x2BC, v6;
	v12 =	vld.idx.msk [tilespmem:v12+s8+$0x0], $0xffff;
	v4 =	vadd.f32 v8, v4  }
0xed: {  	v8 =	vadd.s32 s16, v0;
	v9 =	vld.idx.msk [tilespmem:v9+s2+$0x0], $0xffff;
	v11 =	vadd.s32 v11, v13  }
0xee: {  	s17 =	sadd.s32 $0xFFFFFFF1, s14;
	v15 =	vld.idx.msk [tilespmem:v15+s8+$0x0], $0xffff;
	v11 =	vadd.s32 $0x320, v11;
	v4 =	vadd.f32 v14, v4  }
0xef: {  	v14 =	vadd.s32 s17, v0;
	v10 =	vld.idx.msk [tilespmem:v10+s2+$0x0], $0xffff;
	v13 =	vadd.s32 v16, v13  }
0xf0: {  	v3 =	vmul.u32 $0x3E8, v3;
	s18 =	sadd.s32 $0xFFFFFFF2, s14;
	v5 =	vld.idx.msk [tilespmem:v5+s8+$0x0], $0xffff;
	v13 =	vadd.s32 $0x384, v13;
	v4 =	vadd.f32 v7, v4  }
0xf1: {  	v7 =	vadd.s32 s18, v0;
	v6 =	vld.idx.msk [tilespmem:v6+s2+$0x0], $0xffff  }
0xf2: {  	s19 =	sadd.s32 $0xFFFFFFF3, s14;
	v12 =	vadd.s32 v12, v3;
	v8 =	vld.idx.msk [tilespmem:v8+s8+$0x0], $0xffff;
	v4 =	vadd.f32 v9, v4  }
0xf3: {  	v9 =	vadd.s32 s19, v0;
	v11 =	vld.idx.msk [tilespmem:v11+s2+$0x0], $0xffff;
	v15 =	vadd.s32 v15, v3  }
0xf4: {  	s20 =	sadd.s32 $0xFFFFFFF4, s14;
	v14 =	vld.idx.msk [tilespmem:v14+s8+$0x0], $0xffff;
	v15 =	vadd.s32 $0x64, v15;
	v4 =	vadd.f32 v10, v4  }
0xf5: {  	v10 =	vadd.s32 s20, v0;
	v13 =	vld.idx.msk [tilespmem:v13+s2+$0x0], $0xffff;
	v5 =	vadd.s32 v5, v3  }
0xf6: {  	s21 =	sadd.s32 $0xFFFFFFF5, s14;
	v7 =	vld.idx.msk [tilespmem:v7+s8+$0x0], $0xffff;
	v5 =	vadd.s32 $0xC8, v5;
	v4 =	vadd.f32 v6, v4  }
0xf7: {  	v12 =	vld.idx.msk [tilespmem:v12+s2+$0x0], $0xffff;
	v6 =	vadd.s32 s21, v0;
	v8 =	vadd.s32 v8, v3  }
0xf8: {  	s22 =	sadd.s32 $0xFFFFFFF6, s14;
	v9 =	vld.idx.msk [tilespmem:v9+s8+$0x0], $0xffff;
	v8 =	vadd.s32 $0x12C, v8;
	v4 =	vadd.f32 v11, v4  }
0xf9: {  	v11 =	vadd.s32 s22, v0;
	v15 =	vld.idx.msk [tilespmem:v15+s2+$0x0], $0xffff;
	v14 =	vadd.s32 v14, v3  }
0xfa: {  	s23 =	sadd.s32 $0xFFFFFFF7, s14;
	v10 =	vld.idx.msk [tilespmem:v10+s8+$0x0], $0xffff;
	v14 =	vadd.s32 $0x190, v14;
	v4 =	vadd.f32 v13, v4  }
0xfb: {  	v5 =	vld.idx.msk [tilespmem:v5+s2+$0x0], $0xffff;
	v7 =	vadd.s32 v7, v3;
	v13 =	vadd.s32 s23, v0  }
0xfc: {  	s24 =	sadd.s32 $0xFFFFFFF8, s14;
	v6 =	vld.idx.msk [tilespmem:v6+s8+$0x0], $0xffff;
	v7 =	vadd.s32 $0x1F4, v7;
	v4 =	vadd.f32 v12, v4  }
0xfd: {  	v12 =	vadd.s32 s24, v0;
	v8 =	vld.idx.msk [tilespmem:v8+s2+$0x0], $0xffff;
	v9 =	vadd.s32 v9, v3  }
0xfe: {  	s25 =	sadd.s32 $0xFFFFFFF9, s14;
	v11 =	vld.idx.msk [tilespmem:v11+s8+$0x0], $0xffff;
	v9 =	vadd.s32 $0x258, v9;
	v4 =	vadd.f32 v15, v4  }
0xff: {  	v15 =	vadd.s32 s25, v0;
	v14 =	vld.idx.msk [tilespmem:v14+s2+$0x0], $0xffff;
	v10 =	vadd.s32 v10, v3  }
0x100: {  	s26 =	sadd.s32 $0xFFFFFFFA, s14;
	v10 =	vadd.s32 $0x2BC, v10;
	v13 =	vld.idx.msk [tilespmem:v13+s8+$0x0], $0xffff;
	v4 =	vadd.f32 v5, v4  }
0x101: {  	v5 =	vadd.s32 s26, v0;
	v7 =	vld.idx.msk [tilespmem:v7+s2+$0x0], $0xffff;
	v6 =	vadd.s32 v6, v3  }
0x102: {  	s28 =	sadd.s32 $0xFFFFFFFB, s14;
	v12 =	vld.idx.msk [tilespmem:v12+s8+$0x0], $0xffff;
	v6 =	vadd.s32 $0x320, v6;
	v4 =	vadd.f32 v8, v4  }
0x103: {  	v8 =	vadd.s32 s28, v0;
	v9 =	vld.idx.msk [tilespmem:v9+s2+$0x0], $0xffff;
	v3 =	vadd.s32 v11, v3  }
0x104: {  	v2 =	vmul.u32 $0x3E8, v2;
	s29 =	sadd.s32 $0xFFFFFFFC, s14;
	v11 =	vld.idx.msk [tilespmem:v15+s8+$0x0], $0xffff;
	v3 =	vadd.s32 $0x384, v3;
	v4 =	vadd.f32 v14, v4  }
0x105: {  	v14 =	vadd.s32 s29, v0;
	v10 =	vld.idx.msk [tilespmem:v10+s2+$0x0], $0xffff  }
0x106: {  	s30 =	sadd.s32 $0xFFFFFFFD, s14;
	v13 =	vadd.s32 v13, v2;
	v5 =	vld.idx.msk [tilespmem:v5+s8+$0x0], $0xffff;
	v4 =	vadd.f32 v7, v4  }
0x107: {  	v7 =	vadd.s32 s30, v0;
	v6 =	vld.idx.msk [tilespmem:v6+s2+$0x0], $0xffff;
	v12 =	vadd.s32 v12, v2  }
0x108: {  	s31 =	sadd.s32 $0xFFFFFFFE, s14;
	v8 =	vld.idx.msk [tilespmem:v8+s8+$0x0], $0xffff;
	v12 =	vadd.s32 $0x64, v12;
	v4 =	vadd.f32 v9, v4  }
0x109: {  	v9 =	vadd.s32 s31, v0;
	v3 =	vld.idx.msk [tilespmem:v3+s2+$0x0], $0xffff;
	v11 =	vadd.s32 v11, v2  }
0x10a: {  	s16 =	sadd.s32 $0xFFFFFFFF, s14;
	v14 =	vld.idx.msk [tilespmem:v14+s8+$0x0], $0xffff;
	v11 =	vadd.s32 $0xC8, v11;
	v4 =	vadd.f32 v10, v4  }
0x10b: {  	v13 =	vld.idx.msk [tilespmem:v13+s2+$0x0], $0xffff;
	v10 =	vadd.s32 s16, v0;
	v5 =	vadd.s32 v5, v2  }
0x10c: {  	v7 =	vld.idx.msk [tilespmem:v7+s8+$0x0], $0xffff;
	v5 =	vadd.s32 $0x12C, v5;
	v4 =	vadd.f32 v6, v4  }
0x10d: {  	v6 =	vadd.s32 s14, v0;
	v12 =	vld.idx.msk [tilespmem:v12+s2+$0x0], $0xffff;
	v8 =	vadd.s32 v8, v2  }
0x10e: {  	v9 =	vld.idx.msk [tilespmem:v9+s8+$0x0], $0xffff;
	v8 =	vadd.s32 $0x190, v8;
	v3 =	vadd.f32 v3, v4  }
0x10f: {  	v4 =	vld.idx.msk [tilespmem:v11+s2+$0x0], $0xffff;
	v11 =	vadd.s32 v14, v2  }
0x110: {  	v10 =	vld.idx.msk [tilespmem:v10+s8+$0x0], $0xffff;
	v11 =	vadd.s32 $0x1F4, v11;
	v3 =	vadd.f32 v13, v3  }
0x111: {  	v5 =	vld.idx.msk [tilespmem:v5+s2+$0x0], $0xffff;
	v7 =	vadd.s32 v7, v2  }
0x112: {  	v6 =	vld.idx.msk [tilespmem:v6+s8+$0x0], $0xffff;
	v7 =	vadd.s32 $0x258, v7;
	v3 =	vadd.f32 v12, v3  }
0x113: {  	v8 =	vld.idx.msk [tilespmem:v8+s2+$0x0], $0xffff;
	v9 =	vadd.s32 v9, v2  }
0x114: {  	v9 =	vadd.s32 $0x2BC, v9;
	v3 =	vadd.f32 v4, v3  }
0x115: {  	v4 =	vld.idx.msk [tilespmem:v11+s2+$0x0], $0xffff;
	v10 =	vadd.s32 v10, v2  }
0x116: {  	v10 =	vadd.s32 $0x320, v10;
	v3 =	vadd.f32 v5, v3  }
0x117: {  	v5 =	vld.idx.msk [tilespmem:v7+s2+$0x0], $0xffff;
	v2 =	vadd.s32 v6, v2  }
0x118: {  	v2 =	vadd.s32 $0x384, v2;
	v3 =	vadd.f32 v8, v3  }
0x119: {  	v6 =	vld.idx.msk [tilespmem:v9+s2+$0x0], $0xffff  }
0x11a: {  	v3 =	vadd.f32 v4, v3  }
0x11b: {  	v4 =	vld.idx.msk [tilespmem:v10+s2+$0x0], $0xffff  }
0x11c: {  	v3 =	vadd.f32 v5, v3  }
0x11d: {  	v2 =	vld.idx.msk [tilespmem:v2+s2+$0x0], $0xffff  }
0x11e: {  	v3 =	vadd.f32 v6, v3;
	_ =	sdelay $0x1  }
0x11f: {  	v3 =	vadd.f32 v4, v3;
	_ =	sdelay $0x1  }
0x120: {  	v2 =	vadd.f32 v2, v3  }
0x121: {  	s17 =	simm.s32 $0x0  }
0x122: {  	s18 =	simm.s32 $0x0;
	s19 =	simm.s32 $0x1;
	[tilespmem:$0x1E470] =	vst v2;
	v2 =	vadd.s32 s17, v1  }
0x123: {  	v3 =	vadd.s32 s18, v0;
	[tilespmem:s8], [sflag:$0x2] =	stream.linear.gather [hbm4b:s5+s17], $0x44C0, $0x38;
	[tilespmem:$0x1E4F0] =	vst v63  }
0x124: {  	s20 =	simm.s32 $0x3;
	v4 =	vadd.s32 s19, v0;
	_ =	swait.ge [sflag:s10], $0x44C0  }
0x125: {  	s21 =	simm.s32 $0x2;
	v5 =	vadd.s32 s20, v1;
	[sflag:s10] =	ssyncset.done $0x0  }
0x126: {  	s22 =	simm.s32 $0x3;
	v7 =	vadd.s32 s21, v0;
	[sflag:s10] =	ssyncadd.s32 $0xFFFFBB40  }
0x127: {  	s23 =	simm.s32 $0x2;
	v8 =	vadd.s32 s22, v0;
	v6 =	vld.idx.msk [tilespmem:v2+s8+$0x0], $0xffff  }
0x128: {  	s24 =	simm.s32 $0x4;
	v9 =	vadd.s32 s23, v1;
	v3 =	vld.idx.msk [tilespmem:v3+s8+$0x0], $0xffff  }
0x129: {  	s26 =	simm.s32 $0x5;
	v10 =	vadd.s32 s24, v0;
	v4 =	vld.idx.msk [tilespmem:v4+s8+$0x0], $0xffff  }
0x12a: {  	s28 =	simm.s32 $0x6;
	v11 =	vadd.s32 s26, v0;
	v2 =	vld.idx.msk [tilespmem:v5+s8+$0x0], $0xffff  }
0x12b: {  	s29 =	simm.s32 $0x7;
	v12 =	vadd.s32 s28, v0;
	v7 =	vld.idx.msk [tilespmem:v7+s8+$0x0], $0xffff  }
0x12c: {  	s30 =	simm.s32 $0x8;
	v13 =	vadd.s32 s29, v0;
	v8 =	vld.idx.msk [tilespmem:v8+s8+$0x0], $0xffff;
	v6 =	vmul.u32 $0x3E8, v6  }
0x12d: {  	v14 =	vadd.s32 s30, v0;
	v9 =	vld.idx.msk [tilespmem:v9+s8+$0x0], $0xffff  }
0x12e: {  	s31 =	simm.s32 $0x9;
	v10 =	vld.idx.msk [tilespmem:v10+s8+$0x0], $0xffff;
	v3 =	vadd.s32 v3, v6  }
0x12f: {  	v15 =	vadd.s32 s31, v0;
	v11 =	vld.idx.msk [tilespmem:v11+s8+$0x0], $0xffff;
	v4 =	vadd.s32 v4, v6  }
0x130: {  	s25 =	simm.s32 $0x1;
	v12 =	vld.idx.msk [tilespmem:v12+s8+$0x0], $0xffff;
	v4 =	vadd.s32 $0x64, v4  }
0x131: {  	v5 =	vadd.s32 s25, v1;
	v13 =	vld.idx.msk [tilespmem:v13+s8+$0x0], $0xffff;
	v7 =	vadd.s32 v7, v6  }
0x132: {  	s16 =	simm.s32 $0xA;
	v14 =	vld.idx.msk [tilespmem:v14+s8+$0x0], $0xffff;
	v7 =	vadd.s32 $0xC8, v7  }
0x133: {  	v17 =	vadd.s32 s16, v0;
	v8 =	vadd.s32 v8, v6;
	v3 =	vld.idx.msk [tilespmem:v3+s2+$0x0], $0xffff  }
0x134: {  	v15 =	vld.idx.msk [tilespmem:v15+s8+$0x0], $0xffff;
	v10 =	vadd.s32 v10, v6;
	v8 =	vadd.s32 $0x12C, v8  }
0x135: {  	s15 =	simm.s32 $0xB;
	v10 =	vadd.s32 $0x190, v10;
	v4 =	vld.idx.msk [tilespmem:v4+s2+$0x0], $0xffff  }
0x136: {  	v16 =	vadd.s32 s15, v0;
	v5 =	vld.idx.msk [tilespmem:v5+s8+$0x0], $0xffff;
	v11 =	vadd.s32 v11, v6  }
0x137: {  	v61 =	vimm.f32 $0.0e+00;
	s17 =	simm.s32 $0xC;
	v11 =	vadd.s32 $0x1F4, v11;
	v7 =	vld.idx.msk [tilespmem:v7+s2+$0x0], $0xffff  }
0x138: {  	v62 =	vadd.s32 s17, v0;
	v17 =	vld.idx.msk [tilespmem:v17+s8+$0x0], $0xffff;
	v12 =	vadd.s32 v12, v6;
	v3 =	vadd.f32 v3, v61  }
0x139: {  	s18 =	simm.s32 $0xD;
	v12 =	vadd.s32 $0x258, v12;
	v8 =	vld.idx.msk [tilespmem:v8+s2+$0x0], $0xffff  }
0x13a: {  	v3 =	vadd.f32 v4, v3;
	v4 =	vld.idx.msk [tilespmem:v10+s2+$0x0], $0xffff;
	v10 =	vadd.s32 v13, v6;
	v13 =	vadd.s32 s18, v0  }
0x13b: {  	s19 =	simm.s32 $0xE;
	v16 =	vld.idx.msk [tilespmem:v16+s8+$0x0], $0xffff;
	v5 =	vmul.u32 $0x3E8, v5;
	v10 =	vadd.s32 $0x2BC, v10  }
0x13c: {  	v3 =	vadd.f32 v7, v3;
	v7 =	vld.idx.msk [tilespmem:v11+s2+$0x0], $0xffff;
	v11 =	vadd.s32 v14, v6;
	v14 =	vadd.s32 s19, v0  }
0x13d: {  	s23 =	simm.s32 $0x12;
	v18 =	vld.idx.msk [tilespmem:v62+s8+$0x0], $0xffff;
	v6 =	vadd.s32 v15, v6;
	v11 =	vadd.s32 $0x320, v11  }
0x13e: {  	v15 =	vadd.s32 v17, v5;
	v17 =	vadd.s32 s23, v0;
	v3 =	vadd.f32 v8, v3;
	v8 =	vld.idx.msk [tilespmem:v12+s2+$0x0], $0xffff  }
0x13f: {  	s20 =	simm.s32 $0xF;
	v6 =	vadd.s32 $0x384, v6;
	v13 =	vld.idx.msk [tilespmem:v13+s8+$0x0], $0xffff  }
0x140: {  	v12 =	vadd.s32 s20, v0;
	v3 =	vadd.f32 v4, v3;
	v4 =	vld.idx.msk [tilespmem:v10+s2+$0x0], $0xffff  }
0x141: {  	s21 =	simm.s32 $0x10;
	v14 =	vld.idx.msk [tilespmem:v14+s8+$0x0], $0xffff  }
0x142: {  	v10 =	vadd.s32 s21, v0;
	v3 =	vadd.f32 v7, v3;
	v7 =	vld.idx.msk [tilespmem:v11+s2+$0x0], $0xffff;
	v11 =	vadd.s32 v16, v5  }
0x143: {  	s22 =	simm.s32 $0x11;
	v17 =	vld.idx.msk [tilespmem:v17+s8+$0x0], $0xffff;
	v11 =	vadd.s32 $0x64, v11  }
0x144: {  	v16 =	vadd.s32 s22, v0;
	v6 =	vld.idx.msk [tilespmem:v6+s2+$0x0], $0xffff;
	v3 =	vadd.f32 v8, v3;
	v8 =	vadd.s32 v18, v5  }
0x145: {  	s24 =	simm.s32 $0x13;
	v12 =	vld.idx.msk [tilespmem:v12+s8+$0x0], $0xffff;
	v8 =	vadd.s32 $0xC8, v8  }
0x146: {  	v13 =	vadd.s32 v13, v5;
	v3 =	vadd.f32 v4, v3;
	v4 =	vld.idx.msk [tilespmem:v15+s2+$0x0], $0xffff;
	v15 =	vadd.s32 s24, v0  }
0x147: {  	s25 =	simm.s32 $0x15;
	v10 =	vld.idx.msk [tilespmem:v10+s8+$0x0], $0xffff;
	v13 =	vadd.s32 $0x12C, v13  }
0x148: {  	v3 =	vadd.f32 v7, v3;
	v7 =	vld.idx.msk [tilespmem:v11+s2+$0x0], $0xffff;
	v11 =	vadd.s32 v14, v5;
	v14 =	vadd.s32 s25, v0  }
0x149: {  	s26 =	simm.s32 $0x14;
	v16 =	vld.idx.msk [tilespmem:v16+s8+$0x0], $0xffff;
	v11 =	vadd.s32 $0x190, v11  }
0x14a: {  	v3 =	vadd.f32 v6, v3;
	v6 =	vld.idx.msk [tilespmem:v8+s2+$0x0], $0xffff;
	v8 =	vadd.s32 v12, v5;
	v12 =	vadd.s32 s26, v0  }
0x14b: {  	s28 =	simm.s32 $0x16;
	v8 =	vadd.s32 $0x1F4, v8;
	v15 =	vld.idx.msk [tilespmem:v15+s8+$0x0], $0xffff  }
0x14c: {  	v10 =	vadd.s32 v10, v5;
	v3 =	vadd.f32 v4, v3;
	v4 =	vld.idx.msk [tilespmem:v13+s2+$0x0], $0xffff;
	v13 =	vadd.s32 s28, v0  }
0x14d: {  	s29 =	simm.s32 $0x17;
	v10 =	vadd.s32 $0x258, v10;
	v14 =	vld.idx.msk [tilespmem:v14+s8+$0x0], $0xffff  }
0x14e: {  	v3 =	vadd.f32 v7, v3;
	v7 =	vld.idx.msk [tilespmem:v11+s2+$0x0], $0xffff;
	v11 =	vadd.s32 v16, v5;
	v16 =	vadd.s32 s29, v0  }
0x14f: {  	s30 =	simm.s32 $0x18;
	v11 =	vadd.s32 $0x2BC, v11;
	v12 =	vld.idx.msk [tilespmem:v12+s8+$0x0], $0xffff  }
0x150: {  	v3 =	vadd.f32 v6, v3;
	v6 =	vld.idx.msk [tilespmem:v8+s2+$0x0], $0xffff;
	v8 =	vadd.s32 v17, v5;
	v17 =	vadd.s32 s30, v0  }
0x151: {  	s31 =	simm.s32 $0x19;
	v8 =	vadd.s32 $0x320, v8;
	v13 =	vld.idx.msk [tilespmem:v13+s8+$0x0], $0xffff  }
0x152: {  	v5 =	vadd.s32 v15, v5;
	v3 =	vadd.f32 v4, v3;
	v4 =	vld.idx.msk [tilespmem:v10+s2+$0x0], $0xffff;
	v10 =	vadd.s32 s31, v0  }
0x153: {  	s15 =	simm.s32 $0x1A;
	v9 =	vmul.u32 $0x3E8, v9;
	v5 =	vadd.s32 $0x384, v5;
	v15 =	vld.idx.msk [tilespmem:v16+s8+$0x0], $0xffff  }
0x154: {  	v3 =	vadd.f32 v7, v3;
	v7 =	vld.idx.msk [tilespmem:v11+s2+$0x0], $0xffff;
	v11 =	vadd.s32 s15, v0  }
0x155: {  	s16 =	simm.s32 $0x1B;
	v12 =	vadd.s32 v12, v9;
	v16 =	vld.idx.msk [tilespmem:v17+s8+$0x0], $0xffff  }
0x156: {  	v3 =	vadd.f32 v6, v3;
	v6 =	vld.idx.msk [tilespmem:v8+s2+$0x0], $0xffff;
	v8 =	vadd.s32 v14, v9;
	v14 =	vadd.s32 s16, v0  }
0x157: {  	s17 =	simm.s32 $0x1C;
	v8 =	vadd.s32 $0x64, v8;
	v10 =	vld.idx.msk [tilespmem:v10+s8+$0x0], $0xffff  }
0x158: {  	v3 =	vadd.f32 v4, v3;
	v4 =	vld.idx.msk [tilespmem:v5+s2+$0x0], $0xffff;
	v5 =	vadd.s32 v13, v9;
	v13 =	vadd.s32 s17, v0  }
0x159: {  	s18 =	simm.s32 $0x1D;
	v5 =	vadd.s32 $0xC8, v5;
	v11 =	vld.idx.msk [tilespmem:v11+s8+$0x0], $0xffff  }
0x15a: {  	v3 =	vadd.f32 v7, v3;
	v7 =	vld.idx.msk [tilespmem:v12+s2+$0x0], $0xffff;
	v12 =	vadd.s32 v15, v9;
	v15 =	vadd.s32 s18, v0  }
0x15b: {  	s19 =	simm.s32 $0x1F;
	v12 =	vadd.s32 $0x12C, v12;
	v14 =	vld.idx.msk [tilespmem:v14+s8+$0x0], $0xffff  }
0x15c: {  	v3 =	vadd.f32 v6, v3;
	v6 =	vld.idx.msk [tilespmem:v8+s2+$0x0], $0xffff;
	v8 =	vadd.s32 v16, v9;
	v16 =	vadd.s32 s19, v0  }
0x15d: {  	s20 =	simm.s32 $0x1E;
	v8 =	vadd.s32 $0x190, v8;
	v13 =	vld.idx.msk [tilespmem:v13+s8+$0x0], $0xffff  }
0x15e: {  	v3 =	vadd.f32 v4, v3;
	v4 =	vld.idx.msk [tilespmem:v5+s2+$0x0], $0xffff;
	v5 =	vadd.s32 v10, v9;
	v10 =	vadd.s32 s20, v0  }
0x15f: {  	v11 =	vadd.s32 v11, v9;
	v5 =	vadd.s32 $0x1F4, v5;
	v15 =	vld.idx.msk [tilespmem:v15+s8+$0x0], $0xffff  }
0x160: {  	s21 =	simm.s32 $0x20;
	v11 =	vadd.s32 $0x258, v11;
	v3 =	vadd.f32 v7, v3;
	v7 =	vld.idx.msk [tilespmem:v12+s2+$0x0], $0xffff  }
0x161: {  	s22 =	simm.s32 $0x21;
	v12 =	vadd.s32 s21, v0;
	v16 =	vld.idx.msk [tilespmem:v16+s8+$0x0], $0xffff  }
0x162: {  	v3 =	vadd.f32 v6, v3;
	v6 =	vld.idx.msk [tilespmem:v8+s2+$0x0], $0xffff;
	v8 =	vadd.s32 v14, v9;
	v14 =	vadd.s32 s22, v0  }
0x163: {  	s23 =	simm.s32 $0x22;
	v8 =	vadd.s32 $0x2BC, v8;
	v10 =	vld.idx.msk [tilespmem:v10+s8+$0x0], $0xffff  }
0x164: {  	v3 =	vadd.f32 v4, v3;
	v4 =	vld.idx.msk [tilespmem:v5+s2+$0x0], $0xffff;
	v5 =	vadd.s32 v13, v9;
	v13 =	vadd.s32 s23, v0  }
0x165: {  	s24 =	simm.s32 $0x23;
	v11 =	vld.idx.msk [tilespmem:v11+s2+$0x0], $0xffff;
	v5 =	vadd.s32 $0x320, v5  }
0x166: {  	v12 =	vld.idx.msk [tilespmem:v12+s8+$0x0], $0xffff;
	v7 =	vadd.f32 v7, v3;
	v3 =	vadd.s32 v15, v9;
	v9 =	vadd.s32 s24, v0  }
0x167: {  	s25 =	simm.s32 $0x24;
	v15 =	vadd.s32 $0x384, v3;
	v3 =	vmul.u32 $0x3E8, v2;
	v2 =	vld.idx.msk [tilespmem:v14+s8+$0x0], $0xffff  }
0x168: {  	s26 =	simm.s32 $0x25;
	v6 =	vadd.f32 v6, v7;
	v7 =	vld.idx.msk [tilespmem:v8+s2+$0x0], $0xffff;
	v8 =	vadd.s32 s25, v0  }
0x169: {  	v14 =	vadd.s32 s26, v0;
	v13 =	vld.idx.msk [tilespmem:v13+s8+$0x0], $0xffff  }
0x16a: {  	v10 =	vadd.s32 v10, v3;
	v4 =	vadd.f32 v4, v6;
	v5 =	vld.idx.msk [tilespmem:v5+s2+$0x0], $0xffff;
	v6 =	vadd.s32 v16, v3  }
0x16b: {  	s28 =	simm.s32 $0x26;
	v6 =	vadd.s32 $0x64, v6;
	v16 =	vld.idx.msk [tilespmem:v9+s8+$0x0], $0xffff  }
0x16c: {  	v9 =	vadd.s32 v12, v3;
	v12 =	vadd.s32 s28, v0;
	v4 =	vadd.f32 v11, v4;
	v11 =	vld.idx.msk [tilespmem:v15+s2+$0x0], $0xffff  }
0x16d: {  	s29 =	simm.s32 $0x27;
	v15 =	vadd.s32 $0xC8, v9;
	v2 =	vadd.s32 v2, v3;
	v17 =	vld.idx.msk [tilespmem:v8+s8+$0x0], $0xffff  }
0x16e: {  	v63 =	vadd.s32 s29, v0;
	v19 =	vadd.s32 $0x12C, v2;
	v2 =	vld.idx.msk [tilespmem:v14+s8+$0x0], $0xffff;
	v4 =	vadd.f32 v7, v4  }
0x16f: {  	s15 =	simm.s32 $0x4;
	v8 =	vld.idx.msk [tilespmem:v10+s2+$0x0], $0xffff  }
0x170: {  	v9 =	vadd.s32 s15, v1;
	v10 =	vadd.s32 v13, v3;
	v5 =	vadd.f32 v5, v4;
	v7 =	vld.idx.msk [tilespmem:v6+s2+$0x0], $0xffff  }
0x171: {  	s30 =	simm.s32 $0x7;
	v13 =	vadd.s32 $0x190, v10;
	v4 =	vld.idx.msk [tilespmem:v12+s8+$0x0], $0xffff  }
0x172: {  	v10 =	vadd.s32 s30, v1;
	v6 =	vld.idx.msk [tilespmem:v15+s2+$0x0], $0xffff;
	v14 =	vadd.f32 v11, v5;
	v5 =	vadd.s32 v16, v3  }
0x173: {  	s31 =	simm.s32 $0x29;
	v11 =	vadd.s32 $0x1F4, v5;
	v5 =	vld.idx.msk [tilespmem:v63+s8+$0x0], $0xffff  }
0x174: {  	s14 =	simm.s32 $0x4F;
	s16 =	simm.s32 $0x8;
	v12 =	vadd.s32 s31, v0;
	v15 =	vadd.s32 v17, v3;
	v14 =	vadd.f32 v8, v14;
	v8 =	vld.idx.msk [tilespmem:v19+s2+$0x0], $0xffff  }
.LBB2_4:
0x175: {  	p1 =	slt.u32 s16, $0x60;
	v9 =	vld.idx.msk [tilespmem:v9+s8+$0x0], $0xffff;
	s17 =	sadd.s32 $0xFFFFFFD9, s14;
	v15 =	vadd.s32 $0x258, v15  }
0x176: {  	v16 =	vadd.s32 s17, v0;
	v7 =	vadd.f32 v7, v14;
	v13 =	vld.idx.msk [tilespmem:v13+s2+$0x0], $0xffff;
	v14 =	vadd.s32 v2, v3  }
0x177: {  	s17 =	sadd.s32 $0xFFFFFFDB, s14;
	v2 =	vld.idx.msk [tilespmem:v10+s8+$0x0], $0xffff;
	v10 =	vadd.s32 $0x2BC, v14  }
0x178: {  	v4 =	vadd.s32 v4, v3;
	v14 =	vadd.s32 s17, v0;
	v6 =	vadd.f32 v6, v7;
	v7 =	vld.idx.msk [tilespmem:v11+s2+$0x0], $0xffff  }
0x179: {  	s17 =	sadd.s32 $0xFFFFFFDC, s14;
	v4 =	vadd.s32 $0x320, v4;
	v11 =	vld.idx.msk [tilespmem:v12+s8+$0x0], $0xffff  }
0x17a: {  	v3 =	vadd.s32 v5, v3;
	v12 =	vadd.s32 s17, v0;
	v6 =	vadd.f32 v8, v6;
	v8 =	vld.idx.msk [tilespmem:v15+s2+$0x0], $0xffff  }
0x17b: {  	s17 =	sadd.s32 $0x2, s15;
	v3 =	vadd.s32 $0x384, v3;
	v5 =	vld.idx.msk [tilespmem:v16+s8+$0x0], $0xffff  }
0x17c: {  	s18 =	sadd.s32 $0xFFFFFFDD, s14;
	v15 =	vadd.s32 s17, v1;
	v6 =	vadd.f32 v13, v6;
	v10 =	vld.idx.msk [tilespmem:v10+s2+$0x0], $0xffff  }
0x17d: {  	s17 =	sadd.s32 $0x1, s15;
	s15 =	smov.u32 s16;
	v13 =	vld.idx.msk [tilespmem:v14+s8+$0x0], $0xffff;
	v14 =	vadd.s32 s18, v0  }
0x17e: {  	v16 =	vadd.s32 s17, v1;
	s18 =	sadd.s32 $0xFFFFFFDE, s14;
	v6 =	vadd.f32 v7, v6;
	v4 =	vld.idx.msk [tilespmem:v4+s2+$0x0], $0xffff  }
0x17f: {  	s17 =	sadd.s32 $0xFFFFFFDF, s14;
	v7 =	vmul.u32 $0x3E8, v9;
	v9 =	vld.idx.msk [tilespmem:v12+s8+$0x0], $0xffff;
	v12 =	vadd.s32 s18, v0  }
0x180: {  	v17 =	vadd.s32 s17, v0;
	v6 =	vadd.f32 v8, v6;
	v8 =	vld.idx.msk [tilespmem:v3+s2+$0x0], $0xffff  }
0x181: {  	s17 =	sadd.s32 $0xFFFFFFE0, s14;
	v5 =	vadd.s32 v5, v7;
	v3 =	vld.idx.msk [tilespmem:v15+s8+$0x0], $0xffff  }
0x182: {  	v11 =	vadd.s32 v11, v7;
	v15 =	vadd.s32 s17, v0;
	v14 =	vld.idx.msk [tilespmem:v14+s8+$0x0], $0xffff;
	v6 =	vadd.f32 v10, v6  }
0x183: {  	s17 =	sadd.s32 $0xFFFFFFE1, s14;
	v10 =	vadd.s32 $0x64, v11;
	v11 =	vld.idx.msk [tilespmem:v16+s8+$0x0], $0xffff  }
0x184: {  	v13 =	vadd.s32 v13, v7;
	v16 =	vadd.s32 s17, v0;
	v12 =	vld.idx.msk [tilespmem:v12+s8+$0x0], $0xffff;
	v4 =	vadd.f32 v4, v6  }
0x185: {  	s17 =	sadd.s32 $0xFFFFFFE2, s14;
	v6 =	vadd.s32 $0xC8, v13;
	v13 =	vld.idx.msk [tilespmem:v17+s8+$0x0], $0xffff  }
0x186: {  	v9 =	vadd.s32 v9, v7;
	v17 =	vadd.s32 s17, v0;
	v5 =	vld.idx.msk [tilespmem:v5+s2+$0x0], $0xffff;
	v4 =	vadd.f32 v8, v4  }
0x187: {  	s17 =	sadd.s32 $0xFFFFFFE4, s14;
	v8 =	vadd.s32 $0x12C, v9;
	v9 =	vld.idx.msk [tilespmem:v15+s8+$0x0], $0xffff  }
0x188: {  	v14 =	vadd.s32 v14, v7;
	v15 =	vadd.s32 s17, v0;
	v10 =	vld.idx.msk [tilespmem:v10+s2+$0x0], $0xffff  }
0x189: {  	s17 =	sadd.s32 $0xFFFFFFE3, s14;
	v14 =	vadd.s32 $0x190, v14;
	v16 =	vld.idx.msk [tilespmem:v16+s8+$0x0], $0xffff  }
0x18a: {  	v18 =	vadd.s32 s17, v0;
	v12 =	vadd.s32 v12, v7;
	v6 =	vld.idx.msk [tilespmem:v6+s2+$0x0], $0xffff  }
0x18b: {  	s17 =	sadd.s32 $0xFFFFFFE5, s14;
	v12 =	vadd.s32 $0x1F4, v12;
	v17 =	vld.idx.msk [tilespmem:v17+s8+$0x0], $0xffff  }
0x18c: {  	v4 =	vadd.f32 v5, v4;
	v5 =	vld.idx.msk [tilespmem:v8+s2+$0x0], $0xffff;
	v8 =	vadd.s32 v13, v7;
	v13 =	vadd.s32 s17, v0  }
0x18d: {  	s17 =	sadd.s32 $0xFFFFFFE6, s14;
	v8 =	vadd.s32 $0x258, v8;
	v15 =	vld.idx.msk [tilespmem:v15+s8+$0x0], $0xffff  }
0x18e: {  	v9 =	vadd.s32 v9, v7;
	v4 =	vadd.f32 v10, v4;
	v10 =	vld.idx.msk [tilespmem:v14+s2+$0x0], $0xffff;
	v14 =	vadd.s32 s17, v0  }
0x18f: {  	v9 =	vadd.s32 $0x2BC, v9;
	s17 =	sadd.s32 $0xFFFFFFE7, s14;
	v18 =	vld.idx.msk [tilespmem:v18+s8+$0x0], $0xffff  }
0x190: {  	v4 =	vadd.f32 v6, v4;
	v6 =	vld.idx.msk [tilespmem:v12+s2+$0x0], $0xffff;
	v12 =	vadd.s32 v16, v7;
	v16 =	vadd.s32 s17, v0  }
0x191: {  	s17 =	sadd.s32 $0xFFFFFFE8, s14;
	v12 =	vadd.s32 $0x320, v12;
	v13 =	vld.idx.msk [tilespmem:v13+s8+$0x0], $0xffff  }
0x192: {  	v7 =	vadd.s32 v17, v7;
	v4 =	vadd.f32 v5, v4;
	v5 =	vld.idx.msk [tilespmem:v8+s2+$0x0], $0xffff;
	v8 =	vadd.s32 s17, v0  }
0x193: {  	v11 =	vmul.u32 $0x3E8, v11;
	v7 =	vadd.s32 $0x384, v7;
	s17 =	sadd.s32 $0xFFFFFFE9, s14;
	v14 =	vld.idx.msk [tilespmem:v14+s8+$0x0], $0xffff  }
0x194: {  	v4 =	vadd.f32 v10, v4;
	v10 =	vadd.s32 s17, v0;
	v9 =	vld.idx.msk [tilespmem:v9+s2+$0x0], $0xffff  }
0x195: {  	s17 =	sadd.s32 $0xFFFFFFEA, s14;
	v17 =	vadd.s32 v18, v11;
	v16 =	vld.idx.msk [tilespmem:v16+s8+$0x0], $0xffff  }
0x196: {  	v4 =	vadd.f32 v6, v4;
	v6 =	vld.idx.msk [tilespmem:v12+s2+$0x0], $0xffff;
	v12 =	vadd.s32 v15, v11;
	v15 =	vadd.s32 s17, v0  }
0x197: {  	s17 =	sadd.s32 $0xFFFFFFEB, s14;
	v12 =	vadd.s32 $0x64, v12;
	v8 =	vld.idx.msk [tilespmem:v8+s8+$0x0], $0xffff  }
0x198: {  	v4 =	vadd.f32 v5, v4;
	v5 =	vld.idx.msk [tilespmem:v7+s2+$0x0], $0xffff;
	v7 =	vadd.s32 v13, v11;
	v13 =	vadd.s32 s17, v0  }
0x199: {  	s17 =	sadd.s32 $0xFFFFFFEC, s14;
	v7 =	vadd.s32 $0xC8, v7;
	v10 =	vld.idx.msk [tilespmem:v10+s8+$0x0], $0xffff  }
0x19a: {  	v14 =	vadd.s32 v14, v11;
	v4 =	vadd.f32 v9, v4;
	v9 =	vld.idx.msk [tilespmem:v17+s2+$0x0], $0xffff;
	v17 =	vadd.s32 s17, v0  }
0x19b: {  	v14 =	vadd.s32 $0x12C, v14;
	s17 =	sadd.s32 $0xFFFFFFEE, s14;
	v15 =	vld.idx.msk [tilespmem:v15+s8+$0x0], $0xffff  }
0x19c: {  	v4 =	vadd.f32 v6, v4;
	v6 =	vld.idx.msk [tilespmem:v12+s2+$0x0], $0xffff;
	v12 =	vadd.s32 v16, v11;
	v16 =	vadd.s32 s17, v0  }
0x19d: {  	s17 =	sadd.s32 $0xFFFFFFED, s14;
	v12 =	vadd.s32 $0x190, v12;
	v13 =	vld.idx.msk [tilespmem:v13+s8+$0x0], $0xffff  }
0x19e: {  	v4 =	vadd.f32 v5, v4;
	v5 =	vld.idx.msk [tilespmem:v7+s2+$0x0], $0xffff;
	v7 =	vadd.s32 v8, v11;
	v8 =	vadd.s32 s17, v0  }
0x19f: {  	s17 =	sadd.s32 $0xFFFFFFEF, s14;
	v7 =	vadd.s32 $0x1F4, v7;
	v17 =	vld.idx.msk [tilespmem:v17+s8+$0x0], $0xffff  }
0x1a0: {  	v10 =	vadd.s32 v10, v11;
	v4 =	vadd.f32 v9, v4;
	v9 =	vld.idx.msk [tilespmem:v14+s2+$0x0], $0xffff;
	v14 =	vadd.s32 s17, v0  }
0x1a1: {  	v10 =	vadd.s32 $0x258, v10;
	s17 =	sadd.s32 $0xFFFFFFF0, s14;
	v16 =	vld.idx.msk [tilespmem:v16+s8+$0x0], $0xffff  }
0x1a2: {  	v4 =	vadd.f32 v6, v4;
	v6 =	vld.idx.msk [tilespmem:v12+s2+$0x0], $0xffff;
	v12 =	vadd.s32 v15, v11;
	v15 =	vadd.s32 s17, v0  }
0x1a3: {  	s17 =	sadd.s32 $0xFFFFFFF1, s14;
	v12 =	vadd.s32 $0x2BC, v12;
	v8 =	vld.idx.msk [tilespmem:v8+s8+$0x0], $0xffff  }
0x1a4: {  	v4 =	vadd.f32 v5, v4;
	v5 =	vld.idx.msk [tilespmem:v7+s2+$0x0], $0xffff;
	v7 =	vadd.s32 v13, v11;
	v13 =	vadd.s32 s17, v0  }
0x1a5: {  	s17 =	sadd.s32 $0xFFFFFFF2, s14;
	v7 =	vadd.s32 $0x320, v7;
	v14 =	vld.idx.msk [tilespmem:v14+s8+$0x0], $0xffff  }
0x1a6: {  	v4 =	vadd.f32 v9, v4;
	v9 =	vld.idx.msk [tilespmem:v10+s2+$0x0], $0xffff;
	v10 =	vadd.s32 v17, v11;
	v11 =	vadd.s32 s17, v0  }
0x1a7: {  	v3 =	vmul.u32 $0x3E8, v3;
	s17 =	sadd.s32 $0xFFFFFFF3, s14;
	v10 =	vadd.s32 $0x384, v10;
	v15 =	vld.idx.msk [tilespmem:v15+s8+$0x0], $0xffff  }
0x1a8: {  	v4 =	vadd.f32 v6, v4;
	v6 =	vld.idx.msk [tilespmem:v12+s2+$0x0], $0xffff;
	v12 =	vadd.s32 s17, v0  }
0x1a9: {  	v8 =	vadd.s32 v8, v3;
	s17 =	sadd.s32 $0xFFFFFFF4, s14;
	v13 =	vld.idx.msk [tilespmem:v13+s8+$0x0], $0xffff  }
0x1aa: {  	v4 =	vadd.f32 v5, v4;
	v5 =	vld.idx.msk [tilespmem:v7+s2+$0x0], $0xffff;
	v7 =	vadd.s32 v16, v3;
	v16 =	vadd.s32 s17, v0  }
0x1ab: {  	s17 =	sadd.s32 $0xFFFFFFF5, s14;
	v7 =	vadd.s32 $0x64, v7;
	v11 =	vld.idx.msk [tilespmem:v11+s8+$0x0], $0xffff  }
0x1ac: {  	v4 =	vadd.f32 v9, v4;
	v9 =	vld.idx.msk [tilespmem:v10+s2+$0x0], $0xffff;
	v10 =	vadd.s32 v14, v3;
	v14 =	vadd.s32 s17, v0  }
0x1ad: {  	s17 =	sadd.s32 $0xFFFFFFF6, s14;
	v10 =	vadd.s32 $0xC8, v10;
	v12 =	vld.idx.msk [tilespmem:v12+s8+$0x0], $0xffff  }
0x1ae: {  	v4 =	vadd.f32 v6, v4;
	v6 =	vld.idx.msk [tilespmem:v8+s2+$0x0], $0xffff;
	v8 =	vadd.s32 v15, v3;
	v15 =	vadd.s32 s17, v0  }
0x1af: {  	s17 =	sadd.s32 $0xFFFFFFF8, s14;
	v8 =	vadd.s32 $0x12C, v8;
	v16 =	vld.idx.msk [tilespmem:v16+s8+$0x0], $0xffff  }
0x1b0: {  	v4 =	vadd.f32 v5, v4;
	v5 =	vld.idx.msk [tilespmem:v7+s2+$0x0], $0xffff;
	v7 =	vadd.s32 v13, v3;
	v13 =	vadd.s32 s17, v0  }
0x1b1: {  	s17 =	sadd.s32 $0xFFFFFFF7, s14;
	v7 =	vadd.s32 $0x190, v7;
	v14 =	vld.idx.msk [tilespmem:v14+s8+$0x0], $0xffff  }
0x1b2: {  	v4 =	vadd.f32 v9, v4;
	v9 =	vld.idx.msk [tilespmem:v10+s2+$0x0], $0xffff;
	v10 =	vadd.s32 v11, v3;
	v11 =	vadd.s32 s17, v0  }
0x1b3: {  	s17 =	sadd.s32 $0xFFFFFFF9, s14;
	v10 =	vadd.s32 $0x1F4, v10;
	v15 =	vld.idx.msk [tilespmem:v15+s8+$0x0], $0xffff  }
0x1b4: {  	v4 =	vadd.f32 v6, v4;
	v6 =	vld.idx.msk [tilespmem:v8+s2+$0x0], $0xffff;
	v8 =	vadd.s32 v12, v3;
	v12 =	vadd.s32 s17, v0  }
0x1b5: {  	s17 =	sadd.s32 $0xFFFFFFFA, s14;
	v8 =	vadd.s32 $0x258, v8;
	v13 =	vld.idx.msk [tilespmem:v13+s8+$0x0], $0xffff  }
0x1b6: {  	v4 =	vadd.f32 v5, v4;
	v5 =	vld.idx.msk [tilespmem:v7+s2+$0x0], $0xffff;
	v7 =	vadd.s32 v16, v3;
	v16 =	vadd.s32 s17, v0  }
0x1b7: {  	s17 =	sadd.s32 $0xFFFFFFFB, s14;
	v7 =	vadd.s32 $0x2BC, v7;
	v11 =	vld.idx.msk [tilespmem:v11+s8+$0x0], $0xffff  }
0x1b8: {  	v4 =	vadd.f32 v9, v4;
	v9 =	vld.idx.msk [tilespmem:v10+s2+$0x0], $0xffff;
	v10 =	vadd.s32 v14, v3;
	v14 =	vadd.s32 s17, v0  }
0x1b9: {  	s17 =	sadd.s32 $0xFFFFFFFC, s14;
	v10 =	vadd.s32 $0x320, v10;
	v12 =	vld.idx.msk [tilespmem:v12+s8+$0x0], $0xffff  }
0x1ba: {  	v3 =	vadd.s32 v15, v3;
	v4 =	vadd.f32 v6, v4;
	v6 =	vld.idx.msk [tilespmem:v8+s2+$0x0], $0xffff;
	v8 =	vadd.s32 s17, v0  }
0x1bb: {  	v15 =	vadd.s32 $0x384, v3;
	v3 =	vmul.u32 $0x3E8, v2;
	s17 =	sadd.s32 $0xFFFFFFFD, s14;
	v2 =	vld.idx.msk [tilespmem:v16+s8+$0x0], $0xffff  }
0x1bc: {  	v4 =	vadd.f32 v5, v4;
	v5 =	vld.idx.msk [tilespmem:v7+s2+$0x0], $0xffff;
	v7 =	vadd.s32 s17, v0  }
0x1bd: {  	v11 =	vadd.s32 v11, v3;
	s17 =	sadd.s32 $0xFFFFFFFE, s14;
	v14 =	vld.idx.msk [tilespmem:v14+s8+$0x0], $0xffff  }
0x1be: {  	v4 =	vadd.f32 v9, v4;
	v9 =	vadd.s32 v13, v3;
	v13 =	vadd.s32 s17, v0;
	v10 =	vld.idx.msk [tilespmem:v10+s2+$0x0], $0xffff  }
0x1bf: {  	s17 =	sadd.s32 $0xFFFFFFFF, s14;
	v16 =	vadd.s32 $0x64, v9;
	v8 =	vld.idx.msk [tilespmem:v8+s8+$0x0], $0xffff  }
0x1c0: {  	v9 =	vadd.s32 v12, v3;
	v12 =	vadd.s32 s17, v0;
	v4 =	vadd.f32 v6, v4;
	v6 =	vld.idx.msk [tilespmem:v15+s2+$0x0], $0xffff  }
0x1c1: {  	v15 =	vadd.s32 $0xC8, v9;
	v17 =	vld.idx.msk [tilespmem:v7+s8+$0x0], $0xffff  }
0x1c2: {  	v2 =	vadd.s32 v2, v3;
	v4 =	vadd.f32 v5, v4;
	v5 =	vadd.s32 s14, v0;
	v18 =	vld.idx.msk [tilespmem:v11+s2+$0x0], $0xffff  }
0x1c3: {  	v19 =	vadd.s32 $0x12C, v2;
	v2 =	vld.idx.msk [tilespmem:v13+s8+$0x0], $0xffff  }
.Ltmp1:
0x1c4: {  	v9 =	vadd.s32 s16, v1;
	v11 =	vadd.f32 v10, v4;
	v4 =	vadd.s32 v14, v3;
	v7 =	vld.idx.msk [tilespmem:v16+s2+$0x0], $0xffff;
	(pc) =	sbr.rel @p1 .LBB2_4-.Ltmp1, $4  }
0x1c5: {  	s17 =	sadd.s32 $0x3, s16;
	v13 =	vadd.s32 $0x190, v4;
	v4 =	vld.idx.msk [tilespmem:v12+s8+$0x0], $0xffff  }
0x1c6: {  	s14 =	sadd.s32 $0x28, s14;
	v10 =	vadd.s32 s17, v1;
	v8 =	vadd.s32 v8, v3;
	v14 =	vadd.f32 v6, v11;
	v6 =	vld.idx.msk [tilespmem:v15+s2+$0x0], $0xffff  }
0x1c7: {  	s17 =	sadd.s32 $0xFFFFFFDA, s14;
	v11 =	vadd.s32 $0x1F4, v8;
	v5 =	vld.idx.msk [tilespmem:v5+s8+$0x0], $0xffff  }
0x1c8: {  	s16 =	sadd.s32 $0x4, s16;
	v12 =	vadd.s32 s17, v0;
	v15 =	vadd.s32 v17, v3;
	v14 =	vadd.f32 v18, v14;
	v8 =	vld.idx.msk [tilespmem:v19+s2+$0x0], $0xffff  }
0x1c9: {  	_ =	sdelay $0x3  }
0x1ca: {  	v9 =	vld.idx.msk [tilespmem:v9+s8+$0x0], $0xffff;
	s16 =	sadd.s32 $0xFFFFFFD9, s14;
	v15 =	vadd.s32 $0x258, v15  }
0x1cb: {  	v13 =	vld.idx.msk [tilespmem:v13+s2+$0x0], $0xffff;
	v17 =	vadd.s32 v2, v3;
	v16 =	vadd.s32 s16, v0  }
0x1cc: {  	s23 =	sadd.s32 $0xFFFFFFDB, s14;
	v2 =	vld.idx.msk [tilespmem:v10+s8+$0x0], $0xffff;
	v53 =	vadd.s32 $0x2BC, v17  }
0x1cd: {  	v11 =	vld.idx.msk [tilespmem:v11+s2+$0x0], $0xffff;
	s24 =	sadd.s32 $0xFFFFFFDC, s14;
	v7 =	vadd.f32 v7, v14;
	v54 =	vadd.s32 s23, v0  }
0x1ce: {  	v12 =	vld.idx.msk [tilespmem:v12+s8+$0x0], $0xffff;
	s17 =	sadd.s32 $0xFFFFFFDD, s14;
	v55 =	vadd.s32 s24, v0  }
0x1cf: {  	s28 =	sadd.s32 $0xFFFFFFDE, s14;
	v58 =	vadd.s32 s17, v0;
	v6 =	vadd.f32 v6, v7;
	v15 =	vld.idx.msk [tilespmem:v15+s2+$0x0], $0xffff  }
0x1d0: {  	v4 =	vadd.s32 v4, v3;
	v60 =	vadd.s32 s28, v0;
	v56 =	vld.idx.msk [tilespmem:v16+s8+$0x0], $0xffff  }
0x1d1: {  	s29 =	sadd.s32 $0xFFFFFFDF, s14;
	v4 =	vadd.s32 $0x320, v4;
	v6 =	vadd.f32 v8, v6;
	v10 =	vld.idx.msk [tilespmem:v53+s2+$0x0], $0xffff  }
0x1d2: {  	v18 =	vadd.s32 s29, v0;
	v3 =	vadd.s32 v5, v3;
	v14 =	vld.idx.msk [tilespmem:v54+s8+$0x0], $0xffff  }
0x1d3: {  	s30 =	sadd.s32 $0xFFFFFFE0, s14;
	v3 =	vadd.s32 $0x384, v3;
	v9 =	vmul.u32 $0x3E8, v9;
	v7 =	vld.idx.msk [tilespmem:v55+s8+$0x0], $0xffff;
	v6 =	vadd.f32 v13, v6  }
0x1d4: {  	v20 =	vadd.s32 s30, v0;
	v63 =	vld.idx.msk [tilespmem:v58+s8+$0x0], $0xffff  }
0x1d5: {  	s31 =	sadd.s32 $0xFFFFFFE1, s14;
	v21 =	vld.idx.msk [tilespmem:v60+s8+$0x0], $0xffff;
	v6 =	vadd.f32 v11, v6;
	v5 =	vadd.s32 v56, v9  }
0x1d6: {  	v22 =	vadd.s32 s31, v0;
	v4 =	vld.idx.msk [tilespmem:v4+s2+$0x0], $0xffff;
	v62 =	vadd.s32 v12, v9  }
0x1d7: {  	s26 =	sadd.s32 $0x1, s15;
	v23 =	vld.idx.msk [tilespmem:v18+s8+$0x0], $0xffff;
	v8 =	vadd.s32 $0x64, v62;
	v6 =	vadd.f32 v15, v6  }
0x1d8: {  	v59 =	vadd.s32 s26, v1;
	v61 =	vld.idx.msk [tilespmem:v3+s2+$0x0], $0xffff;
	v14 =	vadd.s32 v14, v9  }
0x1d9: {  	s16 =	sadd.s32 $0xFFFFFFE2, s14;
	v25 =	vld.idx.msk [tilespmem:v20+s8+$0x0], $0xffff;
	v14 =	vadd.s32 $0xC8, v14;
	v6 =	vadd.f32 v10, v6  }
0x1da: {  	v24 =	vadd.s32 s16, v0;
	v7 =	vadd.s32 v7, v9;
	v5 =	vld.idx.msk [tilespmem:v5+s2+$0x0], $0xffff  }
0x1db: {  	s25 =	sadd.s32 $0x2, s15;
	v16 =	vld.idx.msk [tilespmem:v22+s8+$0x0], $0xffff;
	v7 =	vadd.s32 $0x12C, v7;
	v4 =	vadd.f32 v4, v6  }
0x1dc: {  	v57 =	vadd.s32 s25, v1;
	v12 =	vadd.s32 v63, v9;
	v8 =	vld.idx.msk [tilespmem:v8+s2+$0x0], $0xffff  }
0x1dd: {  	s17 =	sadd.s32 $0xFFFFFFE3, s14;
	v13 =	vld.idx.msk [tilespmem:v59+s8+$0x0], $0xffff;
	v12 =	vadd.s32 $0x190, v12;
	v4 =	vadd.f32 v61, v4  }
0x1de: {  	v26 =	vadd.s32 s17, v0;
	v10 =	vadd.s32 v21, v9;
	v14 =	vld.idx.msk [tilespmem:v14+s2+$0x0], $0xffff  }
0x1df: {  	s18 =	sadd.s32 $0xFFFFFFE4, s14;
	v17 =	vld.idx.msk [tilespmem:v24+s8+$0x0], $0xffff;
	v10 =	vadd.s32 $0x1F4, v10;
	v4 =	vadd.f32 v5, v4  }
0x1e0: {  	v27 =	vadd.s32 s18, v0;
	v6 =	vadd.s32 v23, v9;
	v7 =	vld.idx.msk [tilespmem:v7+s2+$0x0], $0xffff  }
0x1e1: {  	s19 =	sadd.s32 $0xFFFFFFE5, s14;
	v3 =	vld.idx.msk [tilespmem:v57+s8+$0x0], $0xffff;
	v6 =	vadd.s32 $0x258, v6;
	v4 =	vadd.f32 v8, v4  }
0x1e2: {  	v28 =	vadd.s32 s19, v0;
	v11 =	vadd.s32 v25, v9;
	v12 =	vld.idx.msk [tilespmem:v12+s2+$0x0], $0xffff  }
0x1e3: {  	s20 =	sadd.s32 $0xFFFFFFE6, s14;
	v15 =	vld.idx.msk [tilespmem:v26+s8+$0x0], $0xffff;
	v11 =	vadd.s32 $0x2BC, v11;
	v4 =	vadd.f32 v14, v4  }
0x1e4: {  	v29 =	vadd.s32 s20, v0;
	v16 =	vadd.s32 v16, v9;
	v10 =	vld.idx.msk [tilespmem:v10+s2+$0x0], $0xffff  }
0x1e5: {  	s21 =	sadd.s32 $0xFFFFFFE7, s14;
	v16 =	vadd.s32 $0x320, v16;
	v5 =	vld.idx.msk [tilespmem:v27+s8+$0x0], $0xffff;
	v4 =	vadd.f32 v7, v4  }
0x1e6: {  	v30 =	vadd.s32 s21, v0;
	v9 =	vadd.s32 v17, v9;
	v6 =	vld.idx.msk [tilespmem:v6+s2+$0x0], $0xffff  }
0x1e7: {  	s22 =	sadd.s32 $0xFFFFFFE8, s14;
	v13 =	vmul.u32 $0x3E8, v13;
	v9 =	vadd.s32 $0x384, v9;
	v8 =	vld.idx.msk [tilespmem:v28+s8+$0x0], $0xffff;
	v4 =	vadd.f32 v12, v4  }
0x1e8: {  	v31 =	vadd.s32 s22, v0;
	v11 =	vld.idx.msk [tilespmem:v11+s2+$0x0], $0xffff  }
0x1e9: {  	s23 =	sadd.s32 $0xFFFFFFE9, s14;
	v15 =	vadd.s32 v15, v13;
	v14 =	vld.idx.msk [tilespmem:v29+s8+$0x0], $0xffff;
	v4 =	vadd.f32 v10, v4  }
0x1ea: {  	v32 =	vadd.s32 s23, v0;
	v16 =	vld.idx.msk [tilespmem:v16+s2+$0x0], $0xffff;
	v5 =	vadd.s32 v5, v13  }
0x1eb: {  	s24 =	sadd.s32 $0xFFFFFFEA, s14;
	v7 =	vld.idx.msk [tilespmem:v30+s8+$0x0], $0xffff;
	v5 =	vadd.s32 $0x64, v5;
	v4 =	vadd.f32 v6, v4  }
0x1ec: {  	v33 =	vadd.s32 s24, v0;
	v9 =	vld.idx.msk [tilespmem:v9+s2+$0x0], $0xffff;
	v8 =	vadd.s32 v8, v13  }
0x1ed: {  	s25 =	sadd.s32 $0xFFFFFFEB, s14;
	v12 =	vld.idx.msk [tilespmem:v31+s8+$0x0], $0xffff;
	v8 =	vadd.s32 $0xC8, v8;
	v4 =	vadd.f32 v11, v4  }
0x1ee: {  	v34 =	vadd.s32 s25, v0;
	v15 =	vld.idx.msk [tilespmem:v15+s2+$0x0], $0xffff;
	v14 =	vadd.s32 v14, v13  }
0x1ef: {  	s26 =	sadd.s32 $0xFFFFFFEC, s14;
	v10 =	vld.idx.msk [tilespmem:v32+s8+$0x0], $0xffff;
	v14 =	vadd.s32 $0x12C, v14;
	v4 =	vadd.f32 v16, v4  }
0x1f0: {  	v35 =	vadd.s32 s26, v0;
	v5 =	vld.idx.msk [tilespmem:v5+s2+$0x0], $0xffff;
	v7 =	vadd.s32 v7, v13  }
0x1f1: {  	s28 =	sadd.s32 $0xFFFFFFED, s14;
	v6 =	vld.idx.msk [tilespmem:v33+s8+$0x0], $0xffff;
	v7 =	vadd.s32 $0x190, v7;
	v4 =	vadd.f32 v9, v4  }
0x1f2: {  	v37 =	vadd.s32 s28, v0;
	v8 =	vld.idx.msk [tilespmem:v8+s2+$0x0], $0xffff;
	v36 =	vadd.s32 v12, v13  }
0x1f3: {  	s29 =	sadd.s32 $0xFFFFFFEE, s14;
	v11 =	vld.idx.msk [tilespmem:v34+s8+$0x0], $0xffff;
	v9 =	vadd.s32 $0x1F4, v36;
	v4 =	vadd.f32 v15, v4  }
0x1f4: {  	v38 =	vadd.s32 s29, v0;
	v14 =	vld.idx.msk [tilespmem:v14+s2+$0x0], $0xffff;
	v10 =	vadd.s32 v10, v13  }
0x1f5: {  	s30 =	sadd.s32 $0xFFFFFFEF, s14;
	v16 =	vld.idx.msk [tilespmem:v35+s8+$0x0], $0xffff;
	v10 =	vadd.s32 $0x258, v10;
	v4 =	vadd.f32 v5, v4  }
0x1f6: {  	v39 =	vadd.s32 s30, v0;
	v7 =	vld.idx.msk [tilespmem:v7+s2+$0x0], $0xffff;
	v6 =	vadd.s32 v6, v13  }
0x1f7: {  	s31 =	sadd.s32 $0xFFFFFFF0, s14;
	v12 =	vld.idx.msk [tilespmem:v37+s8+$0x0], $0xffff;
	v6 =	vadd.s32 $0x2BC, v6;
	v4 =	vadd.f32 v8, v4  }
0x1f8: {  	v40 =	vadd.s32 s31, v0;
	v11 =	vadd.s32 v11, v13;
	v9 =	vld.idx.msk [tilespmem:v9+s2+$0x0], $0xffff  }
0x1f9: {  	s16 =	sadd.s32 $0xFFFFFFF1, s14;
	v15 =	vld.idx.msk [tilespmem:v38+s8+$0x0], $0xffff;
	v11 =	vadd.s32 $0x320, v11;
	v4 =	vadd.f32 v14, v4  }
0x1fa: {  	v41 =	vadd.s32 s16, v0;
	v10 =	vld.idx.msk [tilespmem:v10+s2+$0x0], $0xffff;
	v13 =	vadd.s32 v16, v13  }
0x1fb: {  	s17 =	sadd.s32 $0xFFFFFFF2, s14;
	v3 =	vmul.u32 $0x3E8, v3;
	v5 =	vld.idx.msk [tilespmem:v39+s8+$0x0], $0xffff;
	v13 =	vadd.s32 $0x384, v13;
	v4 =	vadd.f32 v7, v4  }
0x1fc: {  	v42 =	vadd.s32 s17, v0;
	v6 =	vld.idx.msk [tilespmem:v6+s2+$0x0], $0xffff  }
0x1fd: {  	s18 =	sadd.s32 $0xFFFFFFF3, s14;
	v12 =	vadd.s32 v12, v3;
	v8 =	vld.idx.msk [tilespmem:v40+s8+$0x0], $0xffff;
	v4 =	vadd.f32 v9, v4  }
0x1fe: {  	v43 =	vadd.s32 s18, v0;
	v11 =	vld.idx.msk [tilespmem:v11+s2+$0x0], $0xffff;
	v15 =	vadd.s32 v15, v3  }
0x1ff: {  	s19 =	sadd.s32 $0xFFFFFFF4, s14;
	v14 =	vld.idx.msk [tilespmem:v41+s8+$0x0], $0xffff;
	v15 =	vadd.s32 $0x64, v15;
	v4 =	vadd.f32 v10, v4  }
0x200: {  	v44 =	vadd.s32 s19, v0;
	v13 =	vld.idx.msk [tilespmem:v13+s2+$0x0], $0xffff;
	v5 =	vadd.s32 v5, v3  }
0x201: {  	s20 =	sadd.s32 $0xFFFFFFF5, s14;
	v7 =	vld.idx.msk [tilespmem:v42+s8+$0x0], $0xffff;
	v5 =	vadd.s32 $0xC8, v5;
	v4 =	vadd.f32 v6, v4  }
0x202: {  	v45 =	vadd.s32 s20, v0;
	v12 =	vld.idx.msk [tilespmem:v12+s2+$0x0], $0xffff;
	v8 =	vadd.s32 v8, v3  }
0x203: {  	s21 =	sadd.s32 $0xFFFFFFF6, s14;
	v9 =	vld.idx.msk [tilespmem:v43+s8+$0x0], $0xffff;
	v8 =	vadd.s32 $0x12C, v8;
	v4 =	vadd.f32 v11, v4  }
0x204: {  	v46 =	vadd.s32 s21, v0;
	v15 =	vld.idx.msk [tilespmem:v15+s2+$0x0], $0xffff;
	v14 =	vadd.s32 v14, v3  }
0x205: {  	s22 =	sadd.s32 $0xFFFFFFF7, s14;
	v10 =	vld.idx.msk [tilespmem:v44+s8+$0x0], $0xffff;
	v14 =	vadd.s32 $0x190, v14;
	v4 =	vadd.f32 v13, v4  }
0x206: {  	v47 =	vadd.s32 s22, v0;
	v5 =	vld.idx.msk [tilespmem:v5+s2+$0x0], $0xffff;
	v7 =	vadd.s32 v7, v3  }
0x207: {  	s23 =	sadd.s32 $0xFFFFFFF8, s14;
	v6 =	vld.idx.msk [tilespmem:v45+s8+$0x0], $0xffff;
	v7 =	vadd.s32 $0x1F4, v7;
	v4 =	vadd.f32 v12, v4  }
0x208: {  	v48 =	vadd.s32 s23, v0;
	v8 =	vld.idx.msk [tilespmem:v8+s2+$0x0], $0xffff;
	v9 =	vadd.s32 v9, v3  }
0x209: {  	s24 =	sadd.s32 $0xFFFFFFF9, s14;
	v11 =	vld.idx.msk [tilespmem:v46+s8+$0x0], $0xffff;
	v9 =	vadd.s32 $0x258, v9;
	v4 =	vadd.f32 v15, v4  }
0x20a: {  	v49 =	vadd.s32 s24, v0;
	v14 =	vld.idx.msk [tilespmem:v14+s2+$0x0], $0xffff;
	v10 =	vadd.s32 v10, v3  }
0x20b: {  	s25 =	sadd.s32 $0xFFFFFFFA, s14;
	v10 =	vadd.s32 $0x2BC, v10;
	v13 =	vld.idx.msk [tilespmem:v47+s8+$0x0], $0xffff;
	v4 =	vadd.f32 v5, v4  }
0x20c: {  	v50 =	vadd.s32 s25, v0;
	v7 =	vld.idx.msk [tilespmem:v7+s2+$0x0], $0xffff;
	v6 =	vadd.s32 v6, v3  }
0x20d: {  	s26 =	sadd.s32 $0xFFFFFFFB, s14;
	v12 =	vld.idx.msk [tilespmem:v48+s8+$0x0], $0xffff;
	v6 =	vadd.s32 $0x320, v6;
	v4 =	vadd.f32 v8, v4  }
0x20e: {  	v51 =	vadd.s32 s26, v0;
	v9 =	vld.idx.msk [tilespmem:v9+s2+$0x0], $0xffff;
	v3 =	vadd.s32 v11, v3  }
0x20f: {  	s28 =	sadd.s32 $0xFFFFFFFC, s14;
	v2 =	vmul.u32 $0x3E8, v2;
	v52 =	vld.idx.msk [tilespmem:v49+s8+$0x0], $0xffff;
	v3 =	vadd.s32 $0x384, v3;
	v4 =	vadd.f32 v14, v4  }
0x210: {  	v53 =	vadd.s32 s28, v0;
	v10 =	vld.idx.msk [tilespmem:v10+s2+$0x0], $0xffff  }
0x211: {  	s29 =	sadd.s32 $0xFFFFFFFD, s14;
	v13 =	vadd.s32 v13, v2;
	v5 =	vld.idx.msk [tilespmem:v50+s8+$0x0], $0xffff;
	v4 =	vadd.f32 v7, v4  }
0x212: {  	v54 =	vadd.s32 s29, v0;
	v6 =	vld.idx.msk [tilespmem:v6+s2+$0x0], $0xffff;
	v12 =	vadd.s32 v12, v2  }
0x213: {  	s30 =	sadd.s32 $0xFFFFFFFE, s14;
	v8 =	vld.idx.msk [tilespmem:v51+s8+$0x0], $0xffff;
	v12 =	vadd.s32 $0x64, v12;
	v4 =	vadd.f32 v9, v4  }
0x214: {  	v55 =	vadd.s32 s30, v0;
	v11 =	vadd.s32 v52, v2;
	v3 =	vld.idx.msk [tilespmem:v3+s2+$0x0], $0xffff  }
0x215: {  	s31 =	sadd.s32 $0xFFFFFFFF, s14;
	v11 =	vadd.s32 $0xC8, v11;
	v14 =	vld.idx.msk [tilespmem:v53+s8+$0x0], $0xffff;
	v4 =	vadd.f32 v10, v4  }
0x216: {  	v56 =	vadd.s32 s31, v0;
	v13 =	vld.idx.msk [tilespmem:v13+s2+$0x0], $0xffff;
	v5 =	vadd.s32 v5, v2  }
0x217: {  	v7 =	vld.idx.msk [tilespmem:v54+s8+$0x0], $0xffff;
	v5 =	vadd.s32 $0x12C, v5;
	v4 =	vadd.f32 v6, v4  }
0x218: {  	v57 =	vadd.s32 s14, v0;
	v12 =	vld.idx.msk [tilespmem:v12+s2+$0x0], $0xffff;
	v8 =	vadd.s32 v8, v2  }
0x219: {  	v9 =	vld.idx.msk [tilespmem:v55+s8+$0x0], $0xffff;
	v8 =	vadd.s32 $0x190, v8;
	v3 =	vadd.f32 v3, v4  }
0x21a: {  	v58 =	vld.idx.msk [tilespmem:v11+s2+$0x0], $0xffff;
	v59 =	vadd.s32 v14, v2  }
0x21b: {  	v10 =	vld.idx.msk [tilespmem:v56+s8+$0x0], $0xffff;
	v11 =	vadd.s32 $0x1F4, v59;
	v3 =	vadd.f32 v13, v3  }
0x21c: {  	v5 =	vld.idx.msk [tilespmem:v5+s2+$0x0], $0xffff;
	v7 =	vadd.s32 v7, v2  }
0x21d: {  	v6 =	vld.idx.msk [tilespmem:v57+s8+$0x0], $0xffff;
	v7 =	vadd.s32 $0x258, v7;
	v3 =	vadd.f32 v12, v3  }
0x21e: {  	v8 =	vld.idx.msk [tilespmem:v8+s2+$0x0], $0xffff;
	v9 =	vadd.s32 v9, v2  }
0x21f: {  	v9 =	vadd.s32 $0x2BC, v9;
	v3 =	vadd.f32 v58, v3  }
0x220: {  	v60 =	vld.idx.msk [tilespmem:v11+s2+$0x0], $0xffff;
	v10 =	vadd.s32 v10, v2  }
0x221: {  	v10 =	vadd.s32 $0x320, v10;
	v3 =	vadd.f32 v5, v3  }
0x222: {  	v61 =	vld.idx.msk [tilespmem:v7+s2+$0x0], $0xffff;
	v2 =	vadd.s32 v6, v2  }
0x223: {  	v2 =	vadd.s32 $0x384, v2;
	v3 =	vadd.f32 v8, v3  }
0x224: {  	v62 =	vld.idx.msk [tilespmem:v9+s2+$0x0], $0xffff  }
0x225: {  	v3 =	vadd.f32 v60, v3  }
0x226: {  	v63 =	vld.idx.msk [tilespmem:v10+s2+$0x0], $0xffff  }
0x227: {  	v3 =	vadd.f32 v61, v3  }
0x228: {  	v2 =	vld.idx.msk [tilespmem:v2+s2+$0x0], $0xffff  }
0x229: {  	v3 =	vadd.f32 v62, v3;
	_ =	sdelay $0x1  }
0x22a: {  	v3 =	vadd.f32 v63, v3;
	_ =	sdelay $0x1  }
0x22b: {  	s13 =	sadd.s32 $0x1, s13;
	v2 =	vadd.f32 v2, v3  }
0x22c: {  	p1 =	sne.s32 s13, s7  }
.Ltmp2:
0x22d: {  	[tilespmem:$0x1E480] =	vst v2;
	(pc) =	sbr.rel @p1 .LBB2_1-.Ltmp2, $4  }
0x22e: {  	[hbm4b:s6+s2] =	stream.linear.scatter [tilespmem:s12], [sflag:$0x2], $0x20, $0x38;
	[tilespmem:$0x1E4F0] =	vst v63  }
0x22f: {  	_ =	swait.ge [sflag:s10], $0x20  }
0x230: {  	[sflag:s10] =	ssyncset.done $0x0  }
0x231: {  	[sflag:s10] =	ssyncadd.s32 $0xFFFFFFE0  }
0x232: {  	_ =	sfence.sel $0x180000  }
0x233: {  	[bflag:$0x0] =	sbarrier.arrive $0xFFFF  }
0x234: {  	_ =	strace $0x90000047  }
0x235: {  	s0 =	sadd.s32 @!p0 $0x100000, s0;
	[bflag:$0x2] =	sbarrier.arrive $0xFFFF  }
0x236: {  	[sflag:s0] =	ssyncadd.tile.s32 @!p0 $0x1;
	_ =	shalt  }
.Lfunc_end2:
_tile_overlayer_lowered:
.L_overlay_start_2:
0x237: {  	(tag) =	ssettag $0x2  }
0x238: {  	s0 =	rddreg [dreg:$0x0];
	s2 =	stileid.u32  }
0x239: {  	s1 =	rddreg [dreg:$0x1];
	p0 =	sne.s32 s2, $0x0  }
0x23a: {  	s3 =	rddreg [dreg:$0x2];
	[bflag:$0x3] =	sbarrier.arrive $0xFFFF;
	s2 =	simm.s32 @!p0 $0x1C02  }
0x23b: {  	[timem:s3], [sflag:s2] =	dma.local @!p0 [hbm:s0], s1  }
0x23c: {  	s0 =	simm.s32 @!p0 $0x2  }
0x23d: {  	_ =	swait.ge @!p0 [sflag:s0], s1  }
0x23e: {  	s1 =	ssub.s32 @!p0 $0x0, s1;
	[sflag:s0] =	ssyncset.done @!p0 $0x0  }
0x23f: {  	[sflag:s0] =	ssyncadd.s32 @!p0 s1  }
0x240: {  	[bflag:$0x3] =	sbarrier.arrive $0xFFFF  }
0x241: {  	_ =	shalt  }

</sc_bundles>
